<compile_context>
chip_gen: v7x
topology: tpu7x:2x2x1
jax: 0.10.2.dev20260603
libtpu: 0.0.44.dev20260713+nightly
codegen_flags: <defaults>
</compile_context>

<pallas_src>
import functools

import jax
import jax.numpy as jnp
from jax import lax
from jax.experimental import pallas as pl
from jax.experimental.pallas import tpu as pltpu
from jax.experimental.pallas import tpu_sc as plsc

V = 100000
D = 64
ROWS_BLK = 1000
N_BLK = V // ROWS_BLK

_B, _L = 4096, 200
BL = _B * _L
NW = 32
BPW = _B // NW
PER_W = BL // NW
ROWS_W = PER_W // 128


def _pairs_body(base_ref, sense_ref, w_ref, out_ref):
    out_ref[:, 0:D] = base_ref[...]
    out_ref[:, D:2 * D] = jnp.dot(sense_ref[...], w_ref[...],
                                  preferred_element_type=jnp.float32)


def _build_pairs(base_table, sense_table, proj_W):
    return pl.pallas_call(
        _pairs_body,
        grid=(N_BLK,),
        in_specs=[
            pl.BlockSpec((ROWS_BLK, D), lambda i: (i, 0)),
            pl.BlockSpec((ROWS_BLK, D), lambda i: (i, 0)),
            pl.BlockSpec((D, D), lambda i: (0, 0)),
        ],
        out_specs=pl.BlockSpec((ROWS_BLK, 2 * D), lambda i: (i, 0)),
        out_shape=jax.ShapeDtypeStruct((V, 2 * D), jnp.float32),
    )(base_table, sense_table, proj_W)


def _make_gather():
    mesh = plsc.VectorSubcoreMesh(core_axis_name="c", subcore_axis_name="s")

    @functools.partial(
        pl.kernel,
        mesh=mesh,
        compiler_params=pltpu.CompilerParams(
            use_tc_tiling_on_sc=True, needs_layout_passes=False
        ),
        out_type=jax.ShapeDtypeStruct((_L, D, _B), jnp.float32),
        scratch_types=[
            pltpu.VMEM((_L, 128), jnp.int32),
            pltpu.VMEM((_L, 128), jnp.int32),
            pltpu.VMEM((3 * 128, 2 * D), jnp.float32),
            pltpu.VMEM((2 * D, 128), jnp.float32),
            pltpu.SemaphoreType.DMA,
            pltpu.SemaphoreType.DMA,
        ],
    )
    def gather_k(ids_hbm, cp_hbm, out_hbm, idxm, hcol, gv, ov,
                 gsem, wsem):
        wid = lax.axis_index("s") * 2 + lax.axis_index("c")
        b0 = wid * BPW
        pltpu.sync_copy(ids_hbm.at[:, pl.ds(b0, BPW)], idxm)

        iota = lax.iota(jnp.int32, 16)

        @plsc.parallel_loop(0, _L, unroll=4)
        def pre_body(l):
            for grp in range(8):
                idv = idxm[l, pl.ds(grp * 16, 16)]
                m = idv >= V
                idxm[l, pl.ds(grp * 16, 16)] = idv - jnp.where(m, V, 0)
                hcol[l, pl.ds(grp * 16, 16)] = jnp.where(m, D, 0)

        def issue_g(l, slot):
            pltpu.async_copy(
                cp_hbm.at[idxm.at[l]], gv.at[pl.ds(slot * 128, 128)], gsem
            )

        def wait_g():
            pltpu.make_async_copy(
                cp_hbm.at[pl.ds(0, 128)], gv.at[pl.ds(0, 128)], gsem
            ).wait()

        def issue_w(l, slot):
            pltpu.async_copy(
                ov.at[pl.ds(slot * D, D)], out_hbm.at[l, :, pl.ds(b0, BPW)],
                wsem,
            )

        def wait_w():
            pltpu.make_async_copy(
                ov.at[pl.ds(0, D)], out_hbm.at[0, :, pl.ds(0, BPW)], wsem
            ).wait()

        issue_g(0, 0)
        issue_g(1, 1)

        def body(l, c):
            slot = lax.rem(l, 3)

            @pl.when(l + 2 < _L)
            def _():
                issue_g(l + 2, lax.rem(l + 2, 3))

            wait_g()

            @pl.when(l >= 2)
            def _():
                wait_w()

            rowb = slot * 128
            obase = lax.rem(l, 2) * D
            for grp in range(8):
                rows = rowb + grp * 16 + iota
                hv = hcol[l, pl.ds(grp * 16, 16)]

                @plsc.parallel_loop(0, D, unroll=2)
                def dloop(d):
                    vals = plsc.load_gather(gv, [rows, hv + d])
                    ov[obase + d, pl.ds(grp * 16, 16)] = vals

            issue_w(l, lax.rem(l, 2))
            return c

        lax.fori_loop(0, _L, body, 0)
        wait_w()
        wait_w()

    return gather_k


_gather_cache = []


def kernel(input_ids, base_table, sense_table, proj_W):
    if not _gather_cache:
        _gather_cache.append(_make_gather())
    cp = _build_pairs(base_table, sense_table, proj_W)
    ids_t = input_ids.T.astype(jnp.int32)
    out3 = _gather_cache[0](ids_t, cp)
    return jnp.transpose(out3, (2, 0, 1))

# --- scband reference (transcript-rebuilt; emitter-appended) ---
"""Pipeline reference for scband-sense-embedding-augmenter-6734508720209 (READ-ONLY COPY).

The authoritative reference and input builder live on the scoring server;
editing this copy changes nothing except your own understanding.
"""

import jax, jax.numpy as jnp
import numpy as np

BASE_VOCAB = 100000
SENSE_VOCAB = 100000
BASE_DIM = 64
SENSE_DIM = 64
B, L = 4096, 200

def setup_inputs(seed: int = 0) -> dict:
    key = jax.random.key(seed)
    k1, k2, k3, k4 = jax.random.split(key, 4)
    input_ids = jax.random.randint(k1, (B, L), 0, BASE_VOCAB + SENSE_VOCAB, dtype=jnp.int64 if jax.config.jax_enable_x64 else jnp.int32)
    base_table = jax.random.normal(k2, (BASE_VOCAB, BASE_DIM), dtype=jnp.float32) * 0.02
    sense_table = jax.random.normal(k3, (SENSE_VOCAB, SENSE_DIM), dtype=jnp.float32) * 0.02
    proj_W = jax.random.normal(k4, (SENSE_DIM, BASE_DIM), dtype=jnp.float32) * (1.0 / np.sqrt(SENSE_DIM))
    return {"input_ids": input_ids, "base_table": base_table, "sense_table": sense_table, "proj_W": proj_W}

def reference(input_ids, base_table, sense_table, proj_W):
    offset = BASE_VOCAB
    orig_pos_mask = input_ids < offset
    base_emb_ids = input_ids * orig_pos_mask
    sense_emb_ids = (input_ids - offset) * (~orig_pos_mask)
    original_vectors = jnp.take(base_table, base_emb_ids, axis=0)
    sense_raw = jnp.take(sense_table, sense_emb_ids, axis=0)
    sense_vectors = sense_raw @ proj_W
    m = orig_pos_mask[..., None]
    masked_original = original_vectors * m
    masked_sense = sense_vectors * (~m)
    return masked_original + masked_sense

if __name__ == "__main__":
    import jax
    _d = setup_inputs()
    print(jax.jit(kernel)(*tuple(_d.values())))

</pallas_src>

<mosaic_0001>
#map = affine_map<(d0, d1) -> (0, 0)>
#map1 = affine_map<(d0, d1) -> (0, 0, 0)>
module attributes {stable_mosaic.version = 14 : i64} {
  func.func @gather_k(%arg0: i32, %arg1: i32, %arg2: memref<200x4096xi32, #tpu.memory_space<hbm>>, %arg3: memref<100000x128xf32, #tpu.memory_space<hbm>>, %arg4: memref<200x64x4096xf32, #tpu.memory_space<hbm>>, %arg5: memref<200x128xi32, #tpu.memory_space<vmem>>, %arg6: memref<200x128xi32, #tpu.memory_space<vmem>>, %arg7: memref<384x128xf32, #tpu.memory_space<vmem>>, %arg8: memref<128x128xf32, #tpu.memory_space<vmem>>, %arg9: memref<!tpu.dma_semaphore, #tpu.memory_space<semaphore_mem>>, %arg10: memref<!tpu.dma_semaphore, #tpu.memory_space<semaphore_mem>>) attributes {dimension_semantics = [#tpu.dimension_semantics<core_parallel>, #tpu.dimension_semantics<subcore_parallel>], iteration_bounds = array<i64: 2, 16>, scalar_prefetch = 0 : i64, scratch_operands = 6 : i64, tpu.core_type = #tpu.core_type<sc_vector_subcore>, window_params = [{transform_indices = #map}, {transform_indices = #map}, {transform_indices = #map1}]} {
    %mul3A = arith.constant 2 : i32
    %mul3A_0 = arith.muli %arg1, %mul3A : i32
    %add3A = arith.addi %mul3A_0, %arg0 : i32
    %mul3A_1 = arith.constant 128 : i32
    %mul3A_2 = arith.muli %add3A, %mul3A_1 : i32
    "tpu.region"() ({
      %run_scoped3A = tpu.sem_alloc : memref<!tpu.dma_semaphore, #tpu.memory_space<semaphore_mem>>
      %dma_start3A_58 = arith.constant 0 : i32
      %dma_start3A_59 = tpu.memref_slice %arg2[%dma_start3A_58, %mul3A_2] : memref<200x4096xi32, #tpu.memory_space<hbm>> -> memref<200x128xi32, #tpu.memory_space<hbm>>
      %dma_start3A_60 = arith.constant 0 : i32
      %dma_start3A_61 = tpu.memref_slice %arg2[%dma_start3A_60, %mul3A_2] : memref<200x4096xi32, #tpu.memory_space<hbm>> -> memref<200x128xi32, #tpu.memory_space<hbm>>
      tpu.enqueue_dma source(%dma_start3A_61 : memref<200x128xi32, #tpu.memory_space<hbm>>) target(%arg5 : memref<200x128xi32, #tpu.memory_space<vmem>>) target_semaphore(%run_scoped3A : memref<!tpu.dma_semaphore, #tpu.memory_space<semaphore_mem>>)
      %dma_wait3A_62 = arith.constant 0 : i32
      %dma_wait3A_63 = tpu.memref_slice %arg2[%dma_wait3A_62, %mul3A_2] : memref<200x4096xi32, #tpu.memory_space<hbm>> -> memref<200x128xi32, #tpu.memory_space<hbm>>
      %dma_wait3A_64 = arith.constant 0 : i32
      %dma_wait3A_65 = tpu.memref_slice %arg2[%dma_wait3A_64, %mul3A_2] : memref<200x4096xi32, #tpu.memory_space<hbm>> -> memref<200x128xi32, #tpu.memory_space<hbm>>
      tpu.wait_dma2 semaphore(%run_scoped3A : memref<!tpu.dma_semaphore, #tpu.memory_space<semaphore_mem>>) src(%dma_wait3A_65 : memref<200x128xi32, #tpu.memory_space<hbm>>) dst(%arg5 : memref<200x128xi32, #tpu.memory_space<vmem>>)
      tpu.yield
    }) : () -> ()
    %iota3A = tpu.iota {dimensions = array<i32: 0>} : vector<16xi32>
    %parallel_loop3A = arith.constant 0 : i32
    %parallel_loop3A_3 = arith.constant 200 : i32
    %parallel_loop3A_4 = arith.constant 1 : i32
    scf.for %parallel_loop3A_58 = %parallel_loop3A to %parallel_loop3A_3 step %parallel_loop3A_4  : i32 {
      %parallel_loop3A_59 = arith.index_cast %parallel_loop3A_58 : i32 to index
      %parallel_loop3A_60 = arith.constant 0 : index
      %parallel_loop3A_61 = tpu.vector_load %arg5[%parallel_loop3A_59, %parallel_loop3A_60] {strides = array<i32>} : memref<200x128xi32, #tpu.memory_space<vmem>>, vector<16xi32>,
      %parallel_loop3A_62 = arith.constant 100000 : i32
      %parallel_loop3A_63 = vector.broadcast %parallel_loop3A_62 : i32 to vector<16xi32>
      %parallel_loop3A_64 = arith.cmpi sge, %parallel_loop3A_61, %parallel_loop3A_63 : vector<16xi32>
      %parallel_loop3A_65 = arith.constant 100000 : i32
      %parallel_loop3A_66 = arith.constant 0 : i32
      %parallel_loop3A_67 = vector.broadcast %parallel_loop3A_65 : i32 to vector<16xi32>
      %parallel_loop3A_68 = vector.broadcast %parallel_loop3A_66 : i32 to vector<16xi32>
      %parallel_loop3A_69 = arith.select %parallel_loop3A_64, %parallel_loop3A_67, %parallel_loop3A_68 : vector<16xi1>, vector<16xi32>
      %parallel_loop3A_70 = arith.subi %parallel_loop3A_61, %parallel_loop3A_69 : vector<16xi32>
      %parallel_loop3A_71 = arith.index_cast %parallel_loop3A_58 : i32 to index
      %parallel_loop3A_72 = arith.constant 0 : index
      %parallel_loop3A_73 = tpu.vector_load %arg5[%parallel_loop3A_71, %parallel_loop3A_72] {strides = array<i32>} : memref<200x128xi32, #tpu.memory_space<vmem>>, vector<16xi32>,
      tpu.vector_store %arg5[%parallel_loop3A_71, %parallel_loop3A_72], %parallel_loop3A_70 {strides = array<i32>} : memref<200x128xi32, #tpu.memory_space<vmem>>, vector<16xi32>,
      %parallel_loop3A_74 = arith.constant 64 : i32
      %parallel_loop3A_75 = arith.constant 0 : i32
      %parallel_loop3A_76 = vector.broadcast %parallel_loop3A_74 : i32 to vector<16xi32>
      %parallel_loop3A_77 = vector.broadcast %parallel_loop3A_75 : i32 to vector<16xi32>
      %parallel_loop3A_78 = arith.select %parallel_loop3A_64, %parallel_loop3A_76, %parallel_loop3A_77 : vector<16xi1>, vector<16xi32>
      %parallel_loop3A_79 = arith.index_cast %parallel_loop3A_58 : i32 to index
      %parallel_loop3A_80 = arith.constant 0 : index
      %parallel_loop3A_81 = tpu.vector_load %arg6[%parallel_loop3A_79, %parallel_loop3A_80] {strides = array<i32>} : memref<200x128xi32, #tpu.memory_space<vmem>>, vector<16xi32>,
      tpu.vector_store %arg6[%parallel_loop3A_79, %parallel_loop3A_80], %parallel_loop3A_78 {strides = array<i32>} : memref<200x128xi32, #tpu.memory_space<vmem>>, vector<16xi32>,
      %parallel_loop3A_82 = arith.index_cast %parallel_loop3A_58 : i32 to index
      %parallel_loop3A_83 = arith.constant 16 : index
      %parallel_loop3A_84 = tpu.vector_load %arg5[%parallel_loop3A_82, %parallel_loop3A_83] {strides = array<i32>} : memref<200x128xi32, #tpu.memory_space<vmem>>, vector<16xi32>,
      %parallel_loop3A_85 = arith.constant 100000 : i32
      %parallel_loop3A_86 = vector.broadcast %parallel_loop3A_85 : i32 to vector<16xi32>
      %parallel_loop3A_87 = arith.cmpi sge, %parallel_loop3A_84, %parallel_loop3A_86 : vector<16xi32>
      %parallel_loop3A_88 = arith.constant 100000 : i32
      %parallel_loop3A_89 = arith.constant 0 : i32
      %parallel_loop3A_90 = vector.broadcast %parallel_loop3A_88 : i32 to vector<16xi32>
      %parallel_loop3A_91 = vector.broadcast %parallel_loop3A_89 : i32 to vector<16xi32>
      %parallel_loop3A_92 = arith.select %parallel_loop3A_87, %parallel_loop3A_90, %parallel_loop3A_91 : vector<16xi1>, vector<16xi32>
      %parallel_loop3A_93 = arith.subi %parallel_loop3A_84, %parallel_loop3A_92 : vector<16xi32>
      %parallel_loop3A_94 = arith.index_cast %parallel_loop3A_58 : i32 to index
      %parallel_loop3A_95 = arith.constant 16 : index
      %parallel_loop3A_96 = tpu.vector_load %arg5[%parallel_loop3A_94, %parallel_loop3A_95] {strides = array<i32>} : memref<200x128xi32, #tpu.memory_space<vmem>>, vector<16xi32>,
      tpu.vector_store %arg5[%parallel_loop3A_94, %parallel_loop3A_95], %parallel_loop3A_93 {strides = array<i32>} : memref<200x128xi32, #tpu.memory_space<vmem>>, vector<16xi32>,
      %parallel_loop3A_97 = arith.constant 64 : i32
      %parallel_loop3A_98 = arith.constant 0 : i32
      %parallel_loop3A_99 = vector.broadcast %parallel_loop3A_97 : i32 to vector<16xi32>
      %parallel_loop3A_100 = vector.broadcast %parallel_loop3A_98 : i32 to vector<16xi32>
      %parallel_loop3A_101 = arith.select %parallel_loop3A_87, %parallel_loop3A_99, %parallel_loop3A_100 : vector<16xi1>, vector<16xi32>
      %parallel_loop3A_102 = arith.index_cast %parallel_loop3A_58 : i32 to index
      %parallel_loop3A_103 = arith.constant 16 : index
      %parallel_loop3A_104 = tpu.vector_load %arg6[%parallel_loop3A_102, %parallel_loop3A_103] {strides = array<i32>} : memref<200x128xi32, #tpu.memory_space<vmem>>, vector<16xi32>,
      tpu.vector_store %arg6[%parallel_loop3A_102, %parallel_loop3A_103], %parallel_loop3A_101 {strides = array<i32>} : memref<200x128xi32, #tpu.memory_space<vmem>>, vector<16xi32>,
      %parallel_loop3A_105 = arith.index_cast %parallel_loop3A_58 : i32 to index
      %parallel_loop3A_106 = arith.constant 32 : index
      %parallel_loop3A_107 = tpu.vector_load %arg5[%parallel_loop3A_105, %parallel_loop3A_106] {strides = array<i32>} : memref<200x128xi32, #tpu.memory_space<vmem>>, vector<16xi32>,
      %parallel_loop3A_108 = arith.constant 100000 : i32
      %parallel_loop3A_109 = vector.broadcast %parallel_loop3A_108 : i32 to vector<16xi32>
      %parallel_loop3A_110 = arith.cmpi sge, %parallel_loop3A_107, %parallel_loop3A_109 : vector<16xi32>
      %parallel_loop3A_111 = arith.constant 100000 : i32
      %parallel_loop3A_112 = arith.constant 0 : i32
      %parallel_loop3A_113 = vector.broadcast %parallel_loop3A_111 : i32 to vector<16xi32>
      %parallel_loop3A_114 = vector.broadcast %parallel_loop3A_112 : i32 to vector<16xi32>
      %parallel_loop3A_115 = arith.select %parallel_loop3A_110, %parallel_loop3A_113, %parallel_loop3A_114 : vector<16xi1>, vector<16xi32>
      %parallel_loop3A_116 = arith.subi %parallel_loop3A_107, %parallel_loop3A_115 : vector<16xi32>
      %parallel_loop3A_117 = arith.index_cast %parallel_loop3A_58 : i32 to index
      %parallel_loop3A_118 = arith.constant 32 : index
      %parallel_loop3A_119 = tpu.vector_load %arg5[%parallel_loop3A_117, %parallel_loop3A_118] {strides = array<i32>} : memref<200x128xi32, #tpu.memory_space<vmem>>, vector<16xi32>,
      tpu.vector_store %arg5[%parallel_loop3A_117, %parallel_loop3A_118], %parallel_loop3A_116 {strides = array<i32>} : memref<200x128xi32, #tpu.memory_space<vmem>>, vector<16xi32>,
      %parallel_loop3A_120 = arith.constant 64 : i32
      %parallel_loop3A_121 = arith.constant 0 : i32
      %parallel_loop3A_122 = vector.broadcast %parallel_loop3A_120 : i32 to vector<16xi32>
      %parallel_loop3A_123 = vector.broadcast %parallel_loop3A_121 : i32 to vector<16xi32>
      %parallel_loop3A_124 = arith.select %parallel_loop3A_110, %parallel_loop3A_122, %parallel_loop3A_123 : vector<16xi1>, vector<16xi32>
      %parallel_loop3A_125 = arith.index_cast %parallel_loop3A_58 : i32 to index
      %parallel_loop3A_126 = arith.constant 32 : index
      %parallel_loop3A_127 = tpu.vector_load %arg6[%parallel_loop3A_125, %parallel_loop3A_126] {strides = array<i32>} : memref<200x128xi32, #tpu.memory_space<vmem>>, vector<16xi32>,
      tpu.vector_store %arg6[%parallel_loop3A_125, %parallel_loop3A_126], %parallel_loop3A_124 {strides = array<i32>} : memref<200x128xi32, #tpu.memory_space<vmem>>, vector<16xi32>,
      %parallel_loop3A_128 = arith.index_cast %parallel_loop3A_58 : i32 to index
      %parallel_loop3A_129 = arith.constant 48 : index
      %parallel_loop3A_130 = tpu.vector_load %arg5[%parallel_loop3A_128, %parallel_loop3A_129] {strides = array<i32>} : memref<200x128xi32, #tpu.memory_space<vmem>>, vector<16xi32>,
      %parallel_loop3A_131 = arith.constant 100000 : i32
      %parallel_loop3A_132 = vector.broadcast %parallel_loop3A_131 : i32 to vector<16xi32>
      %parallel_loop3A_133 = arith.cmpi sge, %parallel_loop3A_130, %parallel_loop3A_132 : vector<16xi32>
      %parallel_loop3A_134 = arith.constant 100000 : i32
      %parallel_loop3A_135 = arith.constant 0 : i32
      %parallel_loop3A_136 = vector.broadcast %parallel_loop3A_134 : i32 to vector<16xi32>
      %parallel_loop3A_137 = vector.broadcast %parallel_loop3A_135 : i32 to vector<16xi32>
      %parallel_loop3A_138 = arith.select %parallel_loop3A_133, %parallel_loop3A_136, %parallel_loop3A_137 : vector<16xi1>, vector<16xi32>
      %parallel_loop3A_139 = arith.subi %parallel_loop3A_130, %parallel_loop3A_138 : vector<16xi32>
      %parallel_loop3A_140 = arith.index_cast %parallel_loop3A_58 : i32 to index
      %parallel_loop3A_141 = arith.constant 48 : index
      %parallel_loop3A_142 = tpu.vector_load %arg5[%parallel_loop3A_140, %parallel_loop3A_141] {strides = array<i32>} : memref<200x128xi32, #tpu.memory_space<vmem>>, vector<16xi32>,
      tpu.vector_store %arg5[%parallel_loop3A_140, %parallel_loop3A_141], %parallel_loop3A_139 {strides = array<i32>} : memref<200x128xi32, #tpu.memory_space<vmem>>, vector<16xi32>,
      %parallel_loop3A_143 = arith.constant 64 : i32
      %parallel_loop3A_144 = arith.constant 0 : i32
      %parallel_loop3A_145 = vector.broadcast %parallel_loop3A_143 : i32 to vector<16xi32>
      %parallel_loop3A_146 = vector.broadcast %parallel_loop3A_144 : i32 to vector<16xi32>
      %parallel_loop3A_147 = arith.select %parallel_loop3A_133, %parallel_loop3A_145, %parallel_loop3A_146 : vector<16xi1>, vector<16xi32>
      %parallel_loop3A_148 = arith.index_cast %parallel_loop3A_58 : i32 to index
      %parallel_loop3A_149 = arith.constant 48 : index
      %parallel_loop3A_150 = tpu.vector_load %arg6[%parallel_loop3A_148, %parallel_loop3A_149] {strides = array<i32>} : memref<200x128xi32, #tpu.memory_space<vmem>>, vector<16xi32>,
      tpu.vector_store %arg6[%parallel_loop3A_148, %parallel_loop3A_149], %parallel_loop3A_147 {strides = array<i32>} : memref<200x128xi32, #tpu.memory_space<vmem>>, vector<16xi32>,
      %parallel_loop3A_151 = arith.index_cast %parallel_loop3A_58 : i32 to index
      %parallel_loop3A_152 = arith.constant 64 : index
      %parallel_loop3A_153 = tpu.vector_load %arg5[%parallel_loop3A_151, %parallel_loop3A_152] {strides = array<i32>} : memref<200x128xi32, #tpu.memory_space<vmem>>, vector<16xi32>,
      %parallel_loop3A_154 = arith.constant 100000 : i32
      %parallel_loop3A_155 = vector.broadcast %parallel_loop3A_154 : i32 to vector<16xi32>
      %parallel_loop3A_156 = arith.cmpi sge, %parallel_loop3A_153, %parallel_loop3A_155 : vector<16xi32>
      %parallel_loop3A_157 = arith.constant 100000 : i32
      %parallel_loop3A_158 = arith.constant 0 : i32
      %parallel_loop3A_159 = vector.broadcast %parallel_loop3A_157 : i32 to vector<16xi32>
      %parallel_loop3A_160 = vector.broadcast %parallel_loop3A_158 : i32 to vector<16xi32>
      %parallel_loop3A_161 = arith.select %parallel_loop3A_156, %parallel_loop3A_159, %parallel_loop3A_160 : vector<16xi1>, vector<16xi32>
      %parallel_loop3A_162 = arith.subi %parallel_loop3A_153, %parallel_loop3A_161 : vector<16xi32>
      %parallel_loop3A_163 = arith.index_cast %parallel_loop3A_58 : i32 to index
      %parallel_loop3A_164 = arith.constant 64 : index
      %parallel_loop3A_165 = tpu.vector_load %arg5[%parallel_loop3A_163, %parallel_loop3A_164] {strides = array<i32>} : memref<200x128xi32, #tpu.memory_space<vmem>>, vector<16xi32>,
      tpu.vector_store %arg5[%parallel_loop3A_163, %parallel_loop3A_164], %parallel_loop3A_162 {strides = array<i32>} : memref<200x128xi32, #tpu.memory_space<vmem>>, vector<16xi32>,
      %parallel_loop3A_166 = arith.constant 64 : i32
      %parallel_loop3A_167 = arith.constant 0 : i32
      %parallel_loop3A_168 = vector.broadcast %parallel_loop3A_166 : i32 to vector<16xi32>
      %parallel_loop3A_169 = vector.broadcast %parallel_loop3A_167 : i32 to vector<16xi32>
      %parallel_loop3A_170 = arith.select %parallel_loop3A_156, %parallel_loop3A_168, %parallel_loop3A_169 : vector<16xi1>, vector<16xi32>
      %parallel_loop3A_171 = arith.index_cast %parallel_loop3A_58 : i32 to index
      %parallel_loop3A_172 = arith.constant 64 : index
      %parallel_loop3A_173 = tpu.vector_load %arg6[%parallel_loop3A_171, %parallel_loop3A_172] {strides = array<i32>} : memref<200x128xi32, #tpu.memory_space<vmem>>, vector<16xi32>,
      tpu.vector_store %arg6[%parallel_loop3A_171, %parallel_loop3A_172], %parallel_loop3A_170 {strides = array<i32>} : memref<200x128xi32, #tpu.memory_space<vmem>>, vector<16xi32>,
      %parallel_loop3A_174 = arith.index_cast %parallel_loop3A_58 : i32 to index
      %parallel_loop3A_175 = arith.constant 80 : index
      %parallel_loop3A_176 = tpu.vector_load %arg5[%parallel_loop3A_174, %parallel_loop3A_175] {strides = array<i32>} : memref<200x128xi32, #tpu.memory_space<vmem>>, vector<16xi32>,
      %parallel_loop3A_177 = arith.constant 100000 : i32
      %parallel_loop3A_178 = vector.broadcast %parallel_loop3A_177 : i32 to vector<16xi32>
      %parallel_loop3A_179 = arith.cmpi sge, %parallel_loop3A_176, %parallel_loop3A_178 : vector<16xi32>
      %parallel_loop3A_180 = arith.constant 100000 : i32
      %parallel_loop3A_181 = arith.constant 0 : i32
      %parallel_loop3A_182 = vector.broadcast %parallel_loop3A_180 : i32 to vector<16xi32>
      %parallel_loop3A_183 = vector.broadcast %parallel_loop3A_181 : i32 to vector<16xi32>
      %parallel_loop3A_184 = arith.select %parallel_loop3A_179, %parallel_loop3A_182, %parallel_loop3A_183 : vector<16xi1>, vector<16xi32>
      %parallel_loop3A_185 = arith.subi %parallel_loop3A_176, %parallel_loop3A_184 : vector<16xi32>
      %parallel_loop3A_186 = arith.index_cast %parallel_loop3A_58 : i32 to index
      %parallel_loop3A_187 = arith.constant 80 : index
      %parallel_loop3A_188 = tpu.vector_load %arg5[%parallel_loop3A_186, %parallel_loop3A_187] {strides = array<i32>} : memref<200x128xi32, #tpu.memory_space<vmem>>, vector<16xi32>,
      tpu.vector_store %arg5[%parallel_loop3A_186, %parallel_loop3A_187], %parallel_loop3A_185 {strides = array<i32>} : memref<200x128xi32, #tpu.memory_space<vmem>>, vector<16xi32>,
      %parallel_loop3A_189 = arith.constant 64 : i32
      %parallel_loop3A_190 = arith.constant 0 : i32
      %parallel_loop3A_191 = vector.broadcast %parallel_loop3A_189 : i32 to vector<16xi32>
      %parallel_loop3A_192 = vector.broadcast %parallel_loop3A_190 : i32 to vector<16xi32>
      %parallel_loop3A_193 = arith.select %parallel_loop3A_179, %parallel_loop3A_191, %parallel_loop3A_192 : vector<16xi1>, vector<16xi32>
      %parallel_loop3A_194 = arith.index_cast %parallel_loop3A_58 : i32 to index
      %parallel_loop3A_195 = arith.constant 80 : index
      %parallel_loop3A_196 = tpu.vector_load %arg6[%parallel_loop3A_194, %parallel_loop3A_195] {strides = array<i32>} : memref<200x128xi32, #tpu.memory_space<vmem>>, vector<16xi32>,
      tpu.vector_store %arg6[%parallel_loop3A_194, %parallel_loop3A_195], %parallel_loop3A_193 {strides = array<i32>} : memref<200x128xi32, #tpu.memory_space<vmem>>, vector<16xi32>,
      %parallel_loop3A_197 = arith.index_cast %parallel_loop3A_58 : i32 to index
      %parallel_loop3A_198 = arith.constant 96 : index
      %parallel_loop3A_199 = tpu.vector_load %arg5[%parallel_loop3A_197, %parallel_loop3A_198] {strides = array<i32>} : memref<200x128xi32, #tpu.memory_space<vmem>>, vector<16xi32>,
      %parallel_loop3A_200 = arith.constant 100000 : i32
      %parallel_loop3A_201 = vector.broadcast %parallel_loop3A_200 : i32 to vector<16xi32>
      %parallel_loop3A_202 = arith.cmpi sge, %parallel_loop3A_199, %parallel_loop3A_201 : vector<16xi32>
      %parallel_loop3A_203 = arith.constant 100000 : i32
      %parallel_loop3A_204 = arith.constant 0 : i32
      %parallel_loop3A_205 = vector.broadcast %parallel_loop3A_203 : i32 to vector<16xi32>
      %parallel_loop3A_206 = vector.broadcast %parallel_loop3A_204 : i32 to vector<16xi32>
      %parallel_loop3A_207 = arith.select %parallel_loop3A_202, %parallel_loop3A_205, %parallel_loop3A_206 : vector<16xi1>, vector<16xi32>
      %parallel_loop3A_208 = arith.subi %parallel_loop3A_199, %parallel_loop3A_207 : vector<16xi32>
      %parallel_loop3A_209 = arith.index_cast %parallel_loop3A_58 : i32 to index
      %parallel_loop3A_210 = arith.constant 96 : index
      %parallel_loop3A_211 = tpu.vector_load %arg5[%parallel_loop3A_209, %parallel_loop3A_210] {strides = array<i32>} : memref<200x128xi32, #tpu.memory_space<vmem>>, vector<16xi32>,
      tpu.vector_store %arg5[%parallel_loop3A_209, %parallel_loop3A_210], %parallel_loop3A_208 {strides = array<i32>} : memref<200x128xi32, #tpu.memory_space<vmem>>, vector<16xi32>,
      %parallel_loop3A_212 = arith.constant 64 : i32
      %parallel_loop3A_213 = arith.constant 0 : i32
      %parallel_loop3A_214 = vector.broadcast %parallel_loop3A_212 : i32 to vector<16xi32>
      %parallel_loop3A_215 = vector.broadcast %parallel_loop3A_213 : i32 to vector<16xi32>
      %parallel_loop3A_216 = arith.select %parallel_loop3A_202, %parallel_loop3A_214, %parallel_loop3A_215 : vector<16xi1>, vector<16xi32>
      %parallel_loop3A_217 = arith.index_cast %parallel_loop3A_58 : i32 to index
      %parallel_loop3A_218 = arith.constant 96 : index
      %parallel_loop3A_219 = tpu.vector_load %arg6[%parallel_loop3A_217, %parallel_loop3A_218] {strides = array<i32>} : memref<200x128xi32, #tpu.memory_space<vmem>>, vector<16xi32>,
      tpu.vector_store %arg6[%parallel_loop3A_217, %parallel_loop3A_218], %parallel_loop3A_216 {strides = array<i32>} : memref<200x128xi32, #tpu.memory_space<vmem>>, vector<16xi32>,
      %parallel_loop3A_220 = arith.index_cast %parallel_loop3A_58 : i32 to index
      %parallel_loop3A_221 = arith.constant 112 : index
      %parallel_loop3A_222 = tpu.vector_load %arg5[%parallel_loop3A_220, %parallel_loop3A_221] {strides = array<i32>} : memref<200x128xi32, #tpu.memory_space<vmem>>, vector<16xi32>,
      %parallel_loop3A_223 = arith.constant 100000 : i32
      %parallel_loop3A_224 = vector.broadcast %parallel_loop3A_223 : i32 to vector<16xi32>
      %parallel_loop3A_225 = arith.cmpi sge, %parallel_loop3A_222, %parallel_loop3A_224 : vector<16xi32>
      %parallel_loop3A_226 = arith.constant 100000 : i32
      %parallel_loop3A_227 = arith.constant 0 : i32
      %parallel_loop3A_228 = vector.broadcast %parallel_loop3A_226 : i32 to vector<16xi32>
      %parallel_loop3A_229 = vector.broadcast %parallel_loop3A_227 : i32 to vector<16xi32>
      %parallel_loop3A_230 = arith.select %parallel_loop3A_225, %parallel_loop3A_228, %parallel_loop3A_229 : vector<16xi1>, vector<16xi32>
      %parallel_loop3A_231 = arith.subi %parallel_loop3A_222, %parallel_loop3A_230 : vector<16xi32>
      %parallel_loop3A_232 = arith.index_cast %parallel_loop3A_58 : i32 to index
      %parallel_loop3A_233 = arith.constant 112 : index
      %parallel_loop3A_234 = tpu.vector_load %arg5[%parallel_loop3A_232, %parallel_loop3A_233] {strides = array<i32>} : memref<200x128xi32, #tpu.memory_space<vmem>>, vector<16xi32>,
      tpu.vector_store %arg5[%parallel_loop3A_232, %parallel_loop3A_233], %parallel_loop3A_231 {strides = array<i32>} : memref<200x128xi32, #tpu.memory_space<vmem>>, vector<16xi32>,
      %parallel_loop3A_235 = arith.constant 64 : i32
      %parallel_loop3A_236 = arith.constant 0 : i32
      %parallel_loop3A_237 = vector.broadcast %parallel_loop3A_235 : i32 to vector<16xi32>
      %parallel_loop3A_238 = vector.broadcast %parallel_loop3A_236 : i32 to vector<16xi32>
      %parallel_loop3A_239 = arith.select %parallel_loop3A_225, %parallel_loop3A_237, %parallel_loop3A_238 : vector<16xi1>, vector<16xi32>
      %parallel_loop3A_240 = arith.index_cast %parallel_loop3A_58 : i32 to index
      %parallel_loop3A_241 = arith.constant 112 : index
      %parallel_loop3A_242 = tpu.vector_load %arg6[%parallel_loop3A_240, %parallel_loop3A_241] {strides = array<i32>} : memref<200x128xi32, #tpu.memory_space<vmem>>, vector<16xi32>,
      tpu.vector_store %arg6[%parallel_loop3A_240, %parallel_loop3A_241], %parallel_loop3A_239 {strides = array<i32>} : memref<200x128xi32, #tpu.memory_space<vmem>>, vector<16xi32>,
    } {sc.loop_unroll_factor = 4 : i64, sc.parallel_access}
    %dma_start3A = arith.constant 0 : i32
    %dma_start3A_5 = arith.constant 0 : i32
    %dma_start3A_6 = arith.constant 0 : i32
    %dma_start3A_7 = tpu.memref_slice %arg7[%dma_start3A_5, %dma_start3A_6] : memref<384x128xf32, #tpu.memory_space<vmem>> -> memref<128x128xf32, #tpu.memory_space<vmem>>
    %dma_start3A_8 = arith.constant 0 : i32
    %dma_start3A_9 = tpu.memref_slice %arg5[%dma_start3A, %dma_start3A_8] : memref<200x128xi32, #tpu.memory_space<vmem>> -> memref<1x128xi32, #tpu.memory_space<vmem>>
    %dma_start3A_10 = tpu.memref_squeeze %dma_start3A_9 : memref<1x128xi32, #tpu.memory_space<vmem>> -> memref<128xi32, #tpu.memory_space<vmem>>
    %dma_start3A_11 = arith.constant 0 : i32
    %dma_start3A_12 = arith.constant 0 : i32
    %dma_start3A_13 = tpu.memref_slice %arg3[%dma_start3A_11, %dma_start3A_12] : memref<100000x128xf32, #tpu.memory_space<hbm>> -> memref<100000x128xf32, #tpu.memory_space<hbm>>
    tpu.enqueue_indirect_dma source(%dma_start3A_13 : memref<100000x128xf32, #tpu.memory_space<hbm>>) target(%dma_start3A_7 : memref<128x128xf32, #tpu.memory_space<vmem>>) offsets(%dma_start3A_10 : memref<128xi32, #tpu.memory_space<vmem>>) semaphore(%arg9 : memref<!tpu.dma_semaphore, #tpu.memory_space<semaphore_mem>>)
    %dma_start3A_14 = arith.constant 1 : i32
    %dma_start3A_15 = arith.constant 128 : i32
    %dma_start3A_16 = arith.constant 0 : i32
    %dma_start3A_17 = tpu.memref_slice %arg7[%dma_start3A_15, %dma_start3A_16] : memref<384x128xf32, #tpu.memory_space<vmem>> -> memref<128x128xf32, #tpu.memory_space<vmem>>
    %dma_start3A_18 = arith.constant 0 : i32
    %dma_start3A_19 = tpu.memref_slice %arg5[%dma_start3A_14, %dma_start3A_18] : memref<200x128xi32, #tpu.memory_space<vmem>> -> memref<1x128xi32, #tpu.memory_space<vmem>>
    %dma_start3A_20 = tpu.memref_squeeze %dma_start3A_19 : memref<1x128xi32, #tpu.memory_space<vmem>> -> memref<128xi32, #tpu.memory_space<vmem>>
    %dma_start3A_21 = arith.constant 0 : i32
    %dma_start3A_22 = arith.constant 0 : i32
    %dma_start3A_23 = tpu.memref_slice %arg3[%dma_start3A_21, %dma_start3A_22] : memref<100000x128xf32, #tpu.memory_space<hbm>> -> memref<100000x128xf32, #tpu.memory_space<hbm>>
    tpu.enqueue_indirect_dma source(%dma_start3A_23 : memref<100000x128xf32, #tpu.memory_space<hbm>>) target(%dma_start3A_17 : memref<128x128xf32, #tpu.memory_space<vmem>>) offsets(%dma_start3A_20 : memref<128xi32, #tpu.memory_space<vmem>>) semaphore(%arg9 : memref<!tpu.dma_semaphore, #tpu.memory_space<semaphore_mem>>)
    %scan3A = arith.constant 0 : i32
    %scan3A_24 = arith.constant 0 : i32
    %scan3A_25 = arith.constant 200 : i32
    %scan3A_26 = arith.addi %scan3A_24, %scan3A_25 : i32
    %scan3A_27 = arith.constant 1 : i32
    scf.for %scan3A_58 = %scan3A_24 to %scan3A_26 step %scan3A_27  : i32 {
      %rem3A = arith.constant 3 : i32
      %rem3A_59 = arith.remsi %scan3A_58, %rem3A : i32
      %add3A_60 = arith.constant 2 : i32
      %add3A_61 = arith.addi %scan3A_58, %add3A_60 : i32
      %lt3A = arith.constant 200 : i32
      %lt3A_62 = arith.cmpi slt, %add3A_61, %lt3A : i32
      %convert_element_type3A = arith.extui %lt3A_62 : i1 to i32
      %cond3A = arith.constant 0 : i32
      %cond3A_63 = arith.cmpi ne, %convert_element_type3A, %cond3A : i32
      scf.if %cond3A_63 {
        %add3A_179 = arith.constant 2 : i32
        %add3A_180 = arith.addi %scan3A_58, %add3A_179 : i32
        %add3A_181 = arith.constant 2 : i32
        %add3A_182 = arith.addi %scan3A_58, %add3A_181 : i32
        %rem3A_183 = arith.constant 3 : i32
        %rem3A_184 = arith.remsi %add3A_182, %rem3A_183 : i32
        %mul3A_185 = arith.constant 128 : i32
        %mul3A_186 = arith.muli %rem3A_184, %mul3A_185 : i32
        %dma_start3A_187 = arith.constant 0 : i32
        %dma_start3A_188 = tpu.memref_slice %arg7[%mul3A_186, %dma_start3A_187] : memref<384x128xf32, #tpu.memory_space<vmem>> -> memref<128x128xf32, #tpu.memory_space<vmem>>
        %dma_start3A_189 = arith.constant 0 : i32
        %dma_start3A_190 = tpu.memref_slice %arg5[%add3A_180, %dma_start3A_189] : memref<200x128xi32, #tpu.memory_space<vmem>> -> memref<1x128xi32, #tpu.memory_space<vmem>>
        %dma_start3A_191 = tpu.memref_squeeze %dma_start3A_190 : memref<1x128xi32, #tpu.memory_space<vmem>> -> memref<128xi32, #tpu.memory_space<vmem>>
        %dma_start3A_192 = arith.constant 0 : i32
        %dma_start3A_193 = arith.constant 0 : i32
        %dma_start3A_194 = tpu.memref_slice %arg3[%dma_start3A_192, %dma_start3A_193] : memref<100000x128xf32, #tpu.memory_space<hbm>> -> memref<100000x128xf32, #tpu.memory_space<hbm>>
        tpu.enqueue_indirect_dma source(%dma_start3A_194 : memref<100000x128xf32, #tpu.memory_space<hbm>>) target(%dma_start3A_188 : memref<128x128xf32, #tpu.memory_space<vmem>>) offsets(%dma_start3A_191 : memref<128xi32, #tpu.memory_space<vmem>>) semaphore(%arg9 : memref<!tpu.dma_semaphore, #tpu.memory_space<semaphore_mem>>)
      } else {
      }
      %dma_wait3A_64 = arith.constant 0 : i32
      %dma_wait3A_65 = arith.constant 0 : i32
      %dma_wait3A_66 = tpu.memref_slice %arg7[%dma_wait3A_64, %dma_wait3A_65] : memref<384x128xf32, #tpu.memory_space<vmem>> -> memref<128x128xf32, #tpu.memory_space<vmem>>
      %dma_wait3A_67 = arith.constant 0 : i32
      %dma_wait3A_68 = arith.constant 0 : i32
      %dma_wait3A_69 = tpu.memref_slice %arg3[%dma_wait3A_67, %dma_wait3A_68] : memref<100000x128xf32, #tpu.memory_space<hbm>> -> memref<128x128xf32, #tpu.memory_space<hbm>>
      %dma_wait3A_70 = arith.constant 0 : i32
      %dma_wait3A_71 = arith.constant 0 : i32
      %dma_wait3A_72 = tpu.memref_slice %arg7[%dma_wait3A_70, %dma_wait3A_71] : memref<384x128xf32, #tpu.memory_space<vmem>> -> memref<128x128xf32, #tpu.memory_space<vmem>>
      %dma_wait3A_73 = arith.constant 0 : i32
      %dma_wait3A_74 = arith.constant 0 : i32
      %dma_wait3A_75 = tpu.memref_slice %arg3[%dma_wait3A_73, %dma_wait3A_74] : memref<100000x128xf32, #tpu.memory_space<hbm>> -> memref<128x128xf32, #tpu.memory_space<hbm>>
      tpu.wait_dma2 semaphore(%arg9 : memref<!tpu.dma_semaphore, #tpu.memory_space<semaphore_mem>>) src(%dma_wait3A_75 : memref<128x128xf32, #tpu.memory_space<hbm>>) dst(%dma_wait3A_72 : memref<128x128xf32, #tpu.memory_space<vmem>>)
      %ge3A = arith.constant 2 : i32
      %ge3A_76 = arith.cmpi sge, %scan3A_58, %ge3A : i32
      %convert_element_type3A_77 = arith.extui %ge3A_76 : i1 to i32
      %cond3A_78 = arith.constant 0 : i32
      %cond3A_79 = arith.cmpi ne, %convert_element_type3A_77, %cond3A_78 : i32
      scf.if %cond3A_79 {
        %dma_wait3A_179 = arith.constant 0 : i32
        %dma_wait3A_180 = arith.constant 0 : i32
        %dma_wait3A_181 = arith.constant 0 : i32
        %dma_wait3A_182 = tpu.memref_slice %arg8[%dma_wait3A_180, %dma_wait3A_181] : memref<128x128xf32, #tpu.memory_space<vmem>> -> memref<64x128xf32, #tpu.memory_space<vmem>>
        %dma_wait3A_183 = arith.constant 0 : i32
        %dma_wait3A_184 = arith.constant 0 : i32
        %dma_wait3A_185 = tpu.memref_slice %arg4[%dma_wait3A_179, %dma_wait3A_183, %dma_wait3A_184] : memref<200x64x4096xf32, #tpu.memory_space<hbm>> -> memref<1x64x128xf32, #tpu.memory_space<hbm>>
        %dma_wait3A_186 = tpu.memref_squeeze %dma_wait3A_185 : memref<1x64x128xf32, #tpu.memory_space<hbm>> -> memref<64x128xf32, #tpu.memory_space<hbm>>
        %dma_wait3A_187 = arith.constant 0 : i32
        %dma_wait3A_188 = arith.constant 0 : i32
        %dma_wait3A_189 = tpu.memref_slice %arg4[%dma_wait3A_179, %dma_wait3A_187, %dma_wait3A_188] : memref<200x64x4096xf32, #tpu.memory_space<hbm>> -> memref<1x64x128xf32, #tpu.memory_space<hbm>>
        %dma_wait3A_190 = tpu.memref_squeeze %dma_wait3A_189 : memref<1x64x128xf32, #tpu.memory_space<hbm>> -> memref<64x128xf32, #tpu.memory_space<hbm>>
        %dma_wait3A_191 = arith.constant 0 : i32
        %dma_wait3A_192 = arith.constant 0 : i32
        %dma_wait3A_193 = tpu.memref_slice %arg8[%dma_wait3A_191, %dma_wait3A_192] : memref<128x128xf32, #tpu.memory_space<vmem>> -> memref<64x128xf32, #tpu.memory_space<vmem>>
        tpu.wait_dma2 semaphore(%arg10 : memref<!tpu.dma_semaphore, #tpu.memory_space<semaphore_mem>>) src(%dma_wait3A_193 : memref<64x128xf32, #tpu.memory_space<vmem>>) dst(%dma_wait3A_190 : memref<64x128xf32, #tpu.memory_space<hbm>>)
      } else {
      }
      %mul3A_80 = arith.constant 128 : i32
      %mul3A_81 = arith.muli %rem3A_59, %mul3A_80 : i32
      %rem3A_82 = arith.constant 2 : i32
      %rem3A_83 = arith.remsi %scan3A_58, %rem3A_82 : i32
      %mul3A_84 = arith.constant 64 : i32
      %mul3A_85 = arith.muli %rem3A_83, %mul3A_84 : i32
      %add3A_86 = arith.constant 0 : i32
      %add3A_87 = arith.addi %mul3A_81, %add3A_86 : i32
      %add3A_88 = vector.broadcast %add3A_87 : i32 to vector<16xi32>
      %add3A_89 = arith.addi %add3A_88, %iota3A : vector<16xi32>
      %get3A = arith.index_cast %scan3A_58 : i32 to index
      %get3A_90 = arith.constant 0 : index
      %get3A_91 = tpu.vector_load %arg6[%get3A, %get3A_90] {strides = array<i32>} : memref<200x128xi32, #tpu.memory_space<vmem>>, vector<16xi32>,
      %parallel_loop3A_92 = arith.constant 0 : i32
      %parallel_loop3A_93 = arith.constant 64 : i32
      %parallel_loop3A_94 = arith.constant 1 : i32
      scf.for %parallel_loop3A_179 = %parallel_loop3A_92 to %parallel_loop3A_93 step %parallel_loop3A_94  : i32 {
        %parallel_loop3A_180 = vector.broadcast %parallel_loop3A_179 : i32 to vector<16xi32>
        %parallel_loop3A_181 = arith.addi %get3A_91, %parallel_loop3A_180 : vector<16xi32>
        %parallel_loop3A_182 = tpu.vector_load_idx %arg7[%add3A_89, %parallel_loop3A_181] : memref<384x128xf32, #tpu.memory_space<vmem>>[vector<16xi32>, vector<16xi32>], vector<16xf32>,
        %parallel_loop3A_183 = arith.addi %mul3A_85, %parallel_loop3A_179 : i32
        %parallel_loop3A_184 = arith.index_cast %parallel_loop3A_183 : i32 to index
        %parallel_loop3A_185 = arith.constant 0 : index
        %parallel_loop3A_186 = tpu.vector_load %arg8[%parallel_loop3A_184, %parallel_loop3A_185] {strides = array<i32>} : memref<128x128xf32, #tpu.memory_space<vmem>>, vector<16xf32>,
        tpu.vector_store %arg8[%parallel_loop3A_184, %parallel_loop3A_185], %parallel_loop3A_182 {strides = array<i32>} : memref<128x128xf32, #tpu.memory_space<vmem>>, vector<16xf32>,
      } {sc.loop_unroll_factor = 2 : i64, sc.parallel_access}
      %add3A_95 = arith.constant 16 : i32
      %add3A_96 = arith.addi %mul3A_81, %add3A_95 : i32
      %add3A_97 = vector.broadcast %add3A_96 : i32 to vector<16xi32>
      %add3A_98 = arith.addi %add3A_97, %iota3A : vector<16xi32>
      %get3A_99 = arith.index_cast %scan3A_58 : i32 to index
      %get3A_100 = arith.constant 16 : index
      %get3A_101 = tpu.vector_load %arg6[%get3A_99, %get3A_100] {strides = array<i32>} : memref<200x128xi32, #tpu.memory_space<vmem>>, vector<16xi32>,
      %parallel_loop3A_102 = arith.constant 0 : i32
      %parallel_loop3A_103 = arith.constant 64 : i32
      %parallel_loop3A_104 = arith.constant 1 : i32
      scf.for %parallel_loop3A_179 = %parallel_loop3A_102 to %parallel_loop3A_103 step %parallel_loop3A_104  : i32 {
        %parallel_loop3A_180 = vector.broadcast %parallel_loop3A_179 : i32 to vector<16xi32>
        %parallel_loop3A_181 = arith.addi %get3A_101, %parallel_loop3A_180 : vector<16xi32>
        %parallel_loop3A_182 = tpu.vector_load_idx %arg7[%add3A_98, %parallel_loop3A_181] : memref<384x128xf32, #tpu.memory_space<vmem>>[vector<16xi32>, vector<16xi32>], vector<16xf32>,
        %parallel_loop3A_183 = arith.addi %mul3A_85, %parallel_loop3A_179 : i32
        %parallel_loop3A_184 = arith.index_cast %parallel_loop3A_183 : i32 to index
        %parallel_loop3A_185 = arith.constant 16 : index
        %parallel_loop3A_186 = tpu.vector_load %arg8[%parallel_loop3A_184, %parallel_loop3A_185] {strides = array<i32>} : memref<128x128xf32, #tpu.memory_space<vmem>>, vector<16xf32>,
        tpu.vector_store %arg8[%parallel_loop3A_184, %parallel_loop3A_185], %parallel_loop3A_182 {strides = array<i32>} : memref<128x128xf32, #tpu.memory_space<vmem>>, vector<16xf32>,
      } {sc.loop_unroll_factor = 2 : i64, sc.parallel_access}
      %add3A_105 = arith.constant 32 : i32
      %add3A_106 = arith.addi %mul3A_81, %add3A_105 : i32
      %add3A_107 = vector.broadcast %add3A_106 : i32 to vector<16xi32>
      %add3A_108 = arith.addi %add3A_107, %iota3A : vector<16xi32>
      %get3A_109 = arith.index_cast %scan3A_58 : i32 to index
      %get3A_110 = arith.constant 32 : index
      %get3A_111 = tpu.vector_load %arg6[%get3A_109, %get3A_110] {strides = array<i32>} : memref<200x128xi32, #tpu.memory_space<vmem>>, vector<16xi32>,
      %parallel_loop3A_112 = arith.constant 0 : i32
      %parallel_loop3A_113 = arith.constant 64 : i32
      %parallel_loop3A_114 = arith.constant 1 : i32
      scf.for %parallel_loop3A_179 = %parallel_loop3A_112 to %parallel_loop3A_113 step %parallel_loop3A_114  : i32 {
        %parallel_loop3A_180 = vector.broadcast %parallel_loop3A_179 : i32 to vector<16xi32>
        %parallel_loop3A_181 = arith.addi %get3A_111, %parallel_loop3A_180 : vector<16xi32>
        %parallel_loop3A_182 = tpu.vector_load_idx %arg7[%add3A_108, %parallel_loop3A_181] : memref<384x128xf32, #tpu.memory_space<vmem>>[vector<16xi32>, vector<16xi32>], vector<16xf32>,
        %parallel_loop3A_183 = arith.addi %mul3A_85, %parallel_loop3A_179 : i32
        %parallel_loop3A_184 = arith.index_cast %parallel_loop3A_183 : i32 to index
        %parallel_loop3A_185 = arith.constant 32 : index
        %parallel_loop3A_186 = tpu.vector_load %arg8[%parallel_loop3A_184, %parallel_loop3A_185] {strides = array<i32>} : memref<128x128xf32, #tpu.memory_space<vmem>>, vector<16xf32>,
        tpu.vector_store %arg8[%parallel_loop3A_184, %parallel_loop3A_185], %parallel_loop3A_182 {strides = array<i32>} : memref<128x128xf32, #tpu.memory_space<vmem>>, vector<16xf32>,
      } {sc.loop_unroll_factor = 2 : i64, sc.parallel_access}
      %add3A_115 = arith.constant 48 : i32
      %add3A_116 = arith.addi %mul3A_81, %add3A_115 : i32
      %add3A_117 = vector.broadcast %add3A_116 : i32 to vector<16xi32>
      %add3A_118 = arith.addi %add3A_117, %iota3A : vector<16xi32>
      %get3A_119 = arith.index_cast %scan3A_58 : i32 to index
      %get3A_120 = arith.constant 48 : index
      %get3A_121 = tpu.vector_load %arg6[%get3A_119, %get3A_120] {strides = array<i32>} : memref<200x128xi32, #tpu.memory_space<vmem>>, vector<16xi32>,
      %parallel_loop3A_122 = arith.constant 0 : i32
      %parallel_loop3A_123 = arith.constant 64 : i32
      %parallel_loop3A_124 = arith.constant 1 : i32
      scf.for %parallel_loop3A_179 = %parallel_loop3A_122 to %parallel_loop3A_123 step %parallel_loop3A_124  : i32 {
        %parallel_loop3A_180 = vector.broadcast %parallel_loop3A_179 : i32 to vector<16xi32>
        %parallel_loop3A_181 = arith.addi %get3A_121, %parallel_loop3A_180 : vector<16xi32>
        %parallel_loop3A_182 = tpu.vector_load_idx %arg7[%add3A_118, %parallel_loop3A_181] : memref<384x128xf32, #tpu.memory_space<vmem>>[vector<16xi32>, vector<16xi32>], vector<16xf32>,
        %parallel_loop3A_183 = arith.addi %mul3A_85, %parallel_loop3A_179 : i32
        %parallel_loop3A_184 = arith.index_cast %parallel_loop3A_183 : i32 to index
        %parallel_loop3A_185 = arith.constant 48 : index
        %parallel_loop3A_186 = tpu.vector_load %arg8[%parallel_loop3A_184, %parallel_loop3A_185] {strides = array<i32>} : memref<128x128xf32, #tpu.memory_space<vmem>>, vector<16xf32>,
        tpu.vector_store %arg8[%parallel_loop3A_184, %parallel_loop3A_185], %parallel_loop3A_182 {strides = array<i32>} : memref<128x128xf32, #tpu.memory_space<vmem>>, vector<16xf32>,
      } {sc.loop_unroll_factor = 2 : i64, sc.parallel_access}
      %add3A_125 = arith.constant 64 : i32
      %add3A_126 = arith.addi %mul3A_81, %add3A_125 : i32
      %add3A_127 = vector.broadcast %add3A_126 : i32 to vector<16xi32>
      %add3A_128 = arith.addi %add3A_127, %iota3A : vector<16xi32>
      %get3A_129 = arith.index_cast %scan3A_58 : i32 to index
      %get3A_130 = arith.constant 64 : index
      %get3A_131 = tpu.vector_load %arg6[%get3A_129, %get3A_130] {strides = array<i32>} : memref<200x128xi32, #tpu.memory_space<vmem>>, vector<16xi32>,
      %parallel_loop3A_132 = arith.constant 0 : i32
      %parallel_loop3A_133 = arith.constant 64 : i32
      %parallel_loop3A_134 = arith.constant 1 : i32
      scf.for %parallel_loop3A_179 = %parallel_loop3A_132 to %parallel_loop3A_133 step %parallel_loop3A_134  : i32 {
        %parallel_loop3A_180 = vector.broadcast %parallel_loop3A_179 : i32 to vector<16xi32>
        %parallel_loop3A_181 = arith.addi %get3A_131, %parallel_loop3A_180 : vector<16xi32>
        %parallel_loop3A_182 = tpu.vector_load_idx %arg7[%add3A_128, %parallel_loop3A_181] : memref<384x128xf32, #tpu.memory_space<vmem>>[vector<16xi32>, vector<16xi32>], vector<16xf32>,
        %parallel_loop3A_183 = arith.addi %mul3A_85, %parallel_loop3A_179 : i32
        %parallel_loop3A_184 = arith.index_cast %parallel_loop3A_183 : i32 to index
        %parallel_loop3A_185 = arith.constant 64 : index
        %parallel_loop3A_186 = tpu.vector_load %arg8[%parallel_loop3A_184, %parallel_loop3A_185] {strides = array<i32>} : memref<128x128xf32, #tpu.memory_space<vmem>>, vector<16xf32>,
        tpu.vector_store %arg8[%parallel_loop3A_184, %parallel_loop3A_185], %parallel_loop3A_182 {strides = array<i32>} : memref<128x128xf32, #tpu.memory_space<vmem>>, vector<16xf32>,
      } {sc.loop_unroll_factor = 2 : i64, sc.parallel_access}
      %add3A_135 = arith.constant 80 : i32
      %add3A_136 = arith.addi %mul3A_81, %add3A_135 : i32
      %add3A_137 = vector.broadcast %add3A_136 : i32 to vector<16xi32>
      %add3A_138 = arith.addi %add3A_137, %iota3A : vector<16xi32>
      %get3A_139 = arith.index_cast %scan3A_58 : i32 to index
      %get3A_140 = arith.constant 80 : index
      %get3A_141 = tpu.vector_load %arg6[%get3A_139, %get3A_140] {strides = array<i32>} : memref<200x128xi32, #tpu.memory_space<vmem>>, vector<16xi32>,
      %parallel_loop3A_142 = arith.constant 0 : i32
      %parallel_loop3A_143 = arith.constant 64 : i32
      %parallel_loop3A_144 = arith.constant 1 : i32
      scf.for %parallel_loop3A_179 = %parallel_loop3A_142 to %parallel_loop3A_143 step %parallel_loop3A_144  : i32 {
        %parallel_loop3A_180 = vector.broadcast %parallel_loop3A_179 : i32 to vector<16xi32>
        %parallel_loop3A_181 = arith.addi %get3A_141, %parallel_loop3A_180 : vector<16xi32>
        %parallel_loop3A_182 = tpu.vector_load_idx %arg7[%add3A_138, %parallel_loop3A_181] : memref<384x128xf32, #tpu.memory_space<vmem>>[vector<16xi32>, vector<16xi32>], vector<16xf32>,
        %parallel_loop3A_183 = arith.addi %mul3A_85, %parallel_loop3A_179 : i32
        %parallel_loop3A_184 = arith.index_cast %parallel_loop3A_183 : i32 to index
        %parallel_loop3A_185 = arith.constant 80 : index
        %parallel_loop3A_186 = tpu.vector_load %arg8[%parallel_loop3A_184, %parallel_loop3A_185] {strides = array<i32>} : memref<128x128xf32, #tpu.memory_space<vmem>>, vector<16xf32>,
        tpu.vector_store %arg8[%parallel_loop3A_184, %parallel_loop3A_185], %parallel_loop3A_182 {strides = array<i32>} : memref<128x128xf32, #tpu.memory_space<vmem>>, vector<16xf32>,
      } {sc.loop_unroll_factor = 2 : i64, sc.parallel_access}
      %add3A_145 = arith.constant 96 : i32
      %add3A_146 = arith.addi %mul3A_81, %add3A_145 : i32
      %add3A_147 = vector.broadcast %add3A_146 : i32 to vector<16xi32>
      %add3A_148 = arith.addi %add3A_147, %iota3A : vector<16xi32>
      %get3A_149 = arith.index_cast %scan3A_58 : i32 to index
      %get3A_150 = arith.constant 96 : index
      %get3A_151 = tpu.vector_load %arg6[%get3A_149, %get3A_150] {strides = array<i32>} : memref<200x128xi32, #tpu.memory_space<vmem>>, vector<16xi32>,
      %parallel_loop3A_152 = arith.constant 0 : i32
      %parallel_loop3A_153 = arith.constant 64 : i32
      %parallel_loop3A_154 = arith.constant 1 : i32
      scf.for %parallel_loop3A_179 = %parallel_loop3A_152 to %parallel_loop3A_153 step %parallel_loop3A_154  : i32 {
        %parallel_loop3A_180 = vector.broadcast %parallel_loop3A_179 : i32 to vector<16xi32>
        %parallel_loop3A_181 = arith.addi %get3A_151, %parallel_loop3A_180 : vector<16xi32>
        %parallel_loop3A_182 = tpu.vector_load_idx %arg7[%add3A_148, %parallel_loop3A_181] : memref<384x128xf32, #tpu.memory_space<vmem>>[vector<16xi32>, vector<16xi32>], vector<16xf32>,
        %parallel_loop3A_183 = arith.addi %mul3A_85, %parallel_loop3A_179 : i32
        %parallel_loop3A_184 = arith.index_cast %parallel_loop3A_183 : i32 to index
        %parallel_loop3A_185 = arith.constant 96 : index
        %parallel_loop3A_186 = tpu.vector_load %arg8[%parallel_loop3A_184, %parallel_loop3A_185] {strides = array<i32>} : memref<128x128xf32, #tpu.memory_space<vmem>>, vector<16xf32>,
        tpu.vector_store %arg8[%parallel_loop3A_184, %parallel_loop3A_185], %parallel_loop3A_182 {strides = array<i32>} : memref<128x128xf32, #tpu.memory_space<vmem>>, vector<16xf32>,
      } {sc.loop_unroll_factor = 2 : i64, sc.parallel_access}
      %add3A_155 = arith.constant 112 : i32
      %add3A_156 = arith.addi %mul3A_81, %add3A_155 : i32
      %add3A_157 = vector.broadcast %add3A_156 : i32 to vector<16xi32>
      %add3A_158 = arith.addi %add3A_157, %iota3A : vector<16xi32>
      %get3A_159 = arith.index_cast %scan3A_58 : i32 to index
      %get3A_160 = arith.constant 112 : index
      %get3A_161 = tpu.vector_load %arg6[%get3A_159, %get3A_160] {strides = array<i32>} : memref<200x128xi32, #tpu.memory_space<vmem>>, vector<16xi32>,
      %parallel_loop3A_162 = arith.constant 0 : i32
      %parallel_loop3A_163 = arith.constant 64 : i32
      %parallel_loop3A_164 = arith.constant 1 : i32
      scf.for %parallel_loop3A_179 = %parallel_loop3A_162 to %parallel_loop3A_163 step %parallel_loop3A_164  : i32 {
        %parallel_loop3A_180 = vector.broadcast %parallel_loop3A_179 : i32 to vector<16xi32>
        %parallel_loop3A_181 = arith.addi %get3A_161, %parallel_loop3A_180 : vector<16xi32>
        %parallel_loop3A_182 = tpu.vector_load_idx %arg7[%add3A_158, %parallel_loop3A_181] : memref<384x128xf32, #tpu.memory_space<vmem>>[vector<16xi32>, vector<16xi32>], vector<16xf32>,
        %parallel_loop3A_183 = arith.addi %mul3A_85, %parallel_loop3A_179 : i32
        %parallel_loop3A_184 = arith.index_cast %parallel_loop3A_183 : i32 to index
        %parallel_loop3A_185 = arith.constant 112 : index
        %parallel_loop3A_186 = tpu.vector_load %arg8[%parallel_loop3A_184, %parallel_loop3A_185] {strides = array<i32>} : memref<128x128xf32, #tpu.memory_space<vmem>>, vector<16xf32>,
        tpu.vector_store %arg8[%parallel_loop3A_184, %parallel_loop3A_185], %parallel_loop3A_182 {strides = array<i32>} : memref<128x128xf32, #tpu.memory_space<vmem>>, vector<16xf32>,
      } {sc.loop_unroll_factor = 2 : i64, sc.parallel_access}
      %rem3A_165 = arith.constant 2 : i32
      %rem3A_166 = arith.remsi %scan3A_58, %rem3A_165 : i32
      %mul3A_167 = arith.constant 64 : i32
      %mul3A_168 = arith.muli %rem3A_166, %mul3A_167 : i32
      %dma_start3A_169 = arith.constant 0 : i32
      %dma_start3A_170 = tpu.memref_slice %arg8[%mul3A_168, %dma_start3A_169] : memref<128x128xf32, #tpu.memory_space<vmem>> -> memref<64x128xf32, #tpu.memory_space<vmem>>
      %dma_start3A_171 = arith.constant 0 : i32
      %dma_start3A_172 = tpu.memref_slice %arg4[%scan3A_58, %dma_start3A_171, %mul3A_2] : memref<200x64x4096xf32, #tpu.memory_space<hbm>> -> memref<1x64x128xf32, #tpu.memory_space<hbm>>
      %dma_start3A_173 = tpu.memref_squeeze %dma_start3A_172 : memref<1x64x128xf32, #tpu.memory_space<hbm>> -> memref<64x128xf32, #tpu.memory_space<hbm>>
      %dma_start3A_174 = arith.constant 0 : i32
      %dma_start3A_175 = tpu.memref_slice %arg4[%scan3A_58, %dma_start3A_174, %mul3A_2] : memref<200x64x4096xf32, #tpu.memory_space<hbm>> -> memref<1x64x128xf32, #tpu.memory_space<hbm>>
      %dma_start3A_176 = tpu.memref_squeeze %dma_start3A_175 : memref<1x64x128xf32, #tpu.memory_space<hbm>> -> memref<64x128xf32, #tpu.memory_space<hbm>>
      %dma_start3A_177 = arith.constant 0 : i32
      %dma_start3A_178 = tpu.memref_slice %arg8[%mul3A_168, %dma_start3A_177] : memref<128x128xf32, #tpu.memory_space<vmem>> -> memref<64x128xf32, #tpu.memory_space<vmem>>
      tpu.enqueue_dma source(%dma_start3A_178 : memref<64x128xf32, #tpu.memory_space<vmem>>) target(%dma_start3A_176 : memref<64x128xf32, #tpu.memory_space<hbm>>) target_semaphore(%arg10 : memref<!tpu.dma_semaphore, #tpu.memory_space<semaphore_mem>>)
    }
    %scan3A_28 = arith.constant 200 : i32
    %dma_wait3A = arith.constant 0 : i32
    %dma_wait3A_29 = arith.constant 0 : i32
    %dma_wait3A_30 = arith.constant 0 : i32
    %dma_wait3A_31 = tpu.memref_slice %arg8[%dma_wait3A_29, %dma_wait3A_30] : memref<128x128xf32, #tpu.memory_space<vmem>> -> memref<64x128xf32, #tpu.memory_space<vmem>>
    %dma_wait3A_32 = arith.constant 0 : i32
    %dma_wait3A_33 = arith.constant 0 : i32
    %dma_wait3A_34 = tpu.memref_slice %arg4[%dma_wait3A, %dma_wait3A_32, %dma_wait3A_33] : memref<200x64x4096xf32, #tpu.memory_space<hbm>> -> memref<1x64x128xf32, #tpu.memory_space<hbm>>
    %dma_wait3A_35 = tpu.memref_squeeze %dma_wait3A_34 : memref<1x64x128xf32, #tpu.memory_space<hbm>> -> memref<64x128xf32, #tpu.memory_space<hbm>>
    %dma_wait3A_36 = arith.constant 0 : i32
    %dma_wait3A_37 = arith.constant 0 : i32
    %dma_wait3A_38 = tpu.memref_slice %arg4[%dma_wait3A, %dma_wait3A_36, %dma_wait3A_37] : memref<200x64x4096xf32, #tpu.memory_space<hbm>> -> memref<1x64x128xf32, #tpu.memory_space<hbm>>
    %dma_wait3A_39 = tpu.memref_squeeze %dma_wait3A_38 : memref<1x64x128xf32, #tpu.memory_space<hbm>> -> memref<64x128xf32, #tpu.memory_space<hbm>>
    %dma_wait3A_40 = arith.constant 0 : i32
    %dma_wait3A_41 = arith.constant 0 : i32
    %dma_wait3A_42 = tpu.memref_slice %arg8[%dma_wait3A_40, %dma_wait3A_41] : memref<128x128xf32, #tpu.memory_space<vmem>> -> memref<64x128xf32, #tpu.memory_space<vmem>>
    tpu.wait_dma2 semaphore(%arg10 : memref<!tpu.dma_semaphore, #tpu.memory_space<semaphore_mem>>) src(%dma_wait3A_42 : memref<64x128xf32, #tpu.memory_space<vmem>>) dst(%dma_wait3A_39 : memref<64x128xf32, #tpu.memory_space<hbm>>)
    %dma_wait3A_43 = arith.constant 0 : i32
    %dma_wait3A_44 = arith.constant 0 : i32
    %dma_wait3A_45 = arith.constant 0 : i32
    %dma_wait3A_46 = tpu.memref_slice %arg8[%dma_wait3A_44, %dma_wait3A_45] : memref<128x128xf32, #tpu.memory_space<vmem>> -> memref<64x128xf32, #tpu.memory_space<vmem>>
    %dma_wait3A_47 = arith.constant 0 : i32
    %dma_wait3A_48 = arith.constant 0 : i32
    %dma_wait3A_49 = tpu.memref_slice %arg4[%dma_wait3A_43, %dma_wait3A_47, %dma_wait3A_48] : memref<200x64x4096xf32, #tpu.memory_space<hbm>> -> memref<1x64x128xf32, #tpu.memory_space<hbm>>
    %dma_wait3A_50 = tpu.memref_squeeze %dma_wait3A_49 : memref<1x64x128xf32, #tpu.memory_space<hbm>> -> memref<64x128xf32, #tpu.memory_space<hbm>>
    %dma_wait3A_51 = arith.constant 0 : i32
    %dma_wait3A_52 = arith.constant 0 : i32
    %dma_wait3A_53 = tpu.memref_slice %arg4[%dma_wait3A_43, %dma_wait3A_51, %dma_wait3A_52] : memref<200x64x4096xf32, #tpu.memory_space<hbm>> -> memref<1x64x128xf32, #tpu.memory_space<hbm>>
    %dma_wait3A_54 = tpu.memref_squeeze %dma_wait3A_53 : memref<1x64x128xf32, #tpu.memory_space<hbm>> -> memref<64x128xf32, #tpu.memory_space<hbm>>
    %dma_wait3A_55 = arith.constant 0 : i32
    %dma_wait3A_56 = arith.constant 0 : i32
    %dma_wait3A_57 = tpu.memref_slice %arg8[%dma_wait3A_55, %dma_wait3A_56] : memref<128x128xf32, #tpu.memory_space<vmem>> -> memref<64x128xf32, #tpu.memory_space<vmem>>
    tpu.wait_dma2 semaphore(%arg10 : memref<!tpu.dma_semaphore, #tpu.memory_space<semaphore_mem>>) src(%dma_wait3A_57 : memref<64x128xf32, #tpu.memory_space<vmem>>) dst(%dma_wait3A_54 : memref<64x128xf32, #tpu.memory_space<hbm>>)
    return
  }
}

module attributes {stable_mosaic.version = 14 : i64} {
  func.func @_pairs_body(%arg0: i32, %arg1: memref<1000x64xf32, #tpu.memory_space<vmem>>, %arg2: memref<1000x64xf32, #tpu.memory_space<vmem>>, %arg3: memref<64x64xf32, #tpu.memory_space<vmem>>, %arg4: memref<1000x128xf32, #tpu.memory_space<vmem>>) attributes {dimension_semantics = [#tpu.dimension_semantics<arbitrary>], iteration_bounds = array<i64: 100>, scalar_prefetch = 0 : i64, scratch_operands = 0 : i64, tpu.core_type = #tpu.core_type<tc>, window_params = [{transform_indices = @transform_0, window_bounds = array<i64: 1000, 64>}, {transform_indices = @transform_1, window_bounds = array<i64: 1000, 64>}, {pipeline_mode = #tpu.pipeline_mode<synchronous>, transform_indices = @transform_2, window_bounds = array<i64: 64, 64>}, {transform_indices = @transform_3, window_bounds = array<i64: 1000, 128>}]} {
    %get3A = arith.constant 0 : index
    %get3A_0 = arith.constant 0 : index
    %get3A_1 = vector.load %arg1[%get3A, %get3A_0] : memref<1000x64xf32, #tpu.memory_space<vmem>>, vector<1000x64xf32>
    %swap3A = arith.constant 0 : index
    %swap3A_2 = arith.constant 0 : index
    %swap3A_3 = vector.load %arg4[%swap3A, %swap3A_2] : memref<1000x128xf32, #tpu.memory_space<vmem>>, vector<1000x64xf32>
    tpu.vector_store %arg4[%swap3A, %swap3A_2], %get3A_1 {strides = array<i32>} : memref<1000x128xf32, #tpu.memory_space<vmem>>, vector<1000x64xf32>,
    %get3A_4 = arith.constant 0 : index
    %get3A_5 = arith.constant 0 : index
    %get3A_6 = vector.load %arg2[%get3A_4, %get3A_5] : memref<1000x64xf32, #tpu.memory_space<vmem>>, vector<1000x64xf32>
    %get3A_7 = arith.constant 0 : index
    %get3A_8 = arith.constant 0 : index
    %get3A_9 = vector.load %arg3[%get3A_7, %get3A_8] : memref<64x64xf32, #tpu.memory_space<vmem>>, vector<64x64xf32>
    %dot_general3A = arith.constant dense<0.000000e+00> : vector<1000x64xf32>
    %dot_general3A_10 = tpu.matmul %get3A_6, %get3A_9, %dot_general3A {dimension_numbers = #tpu.dot_dimension_numbers<[1], [0], [0], [1], [0, 0, 1, 1], [], []>, transpose_lhs_hint = false} : vector<1000x64xf32>, vector<64x64xf32>, vector<1000x64xf32> -> vector<1000x64xf32>
    %swap3A_11 = arith.constant 0 : index
    %swap3A_12 = arith.constant 64 : index
    %swap3A_13 = vector.load %arg4[%swap3A_11, %swap3A_12] : memref<1000x128xf32, #tpu.memory_space<vmem>>, vector<1000x64xf32>
    tpu.vector_store %arg4[%swap3A_11, %swap3A_12], %dot_general3A_10 {strides = array<i32>} : memref<1000x128xf32, #tpu.memory_space<vmem>>, vector<1000x64xf32>,
    return
  }
  func.func @transform_0(%arg0: i32) -> (i32, i32) {
    %c0_i32 = arith.constant 0 : i32
    %c0_i32_0 = arith.constant 0 : i32
    return %arg0, %c0_i32 : i32, i32
  }
  func.func @transform_1(%arg0: i32) -> (i32, i32) {
    %c0_i32 = arith.constant 0 : i32
    %c0_i32_0 = arith.constant 0 : i32
    return %arg0, %c0_i32 : i32, i32
  }
  func.func @transform_2(%arg0: i32) -> (i32, i32) {
    %c0_i32 = arith.constant 0 : i32
    %c0_i32_0 = arith.constant 0 : i32
    %c0_i32_1 = arith.constant 0 : i32
    return %c0_i32, %c0_i32_0 : i32, i32
  }
  func.func @transform_3(%arg0: i32) -> (i32, i32) {
    %c0_i32 = arith.constant 0 : i32
    %c0_i32_0 = arith.constant 0 : i32
    return %arg0, %c0_i32 : i32, i32
  }
}

</mosaic_0001>

<sc_bundles>
// kernel: kernel.4.cloned.1.call-start
scs
__scs_entry_jumppad:
0x0: {  	(pc) =	sbr.rel $0x88, $3  }
0x1: {  	(tag) =	ssettag $0x0;
	lr =	simm.s32 $0x1  }
0x2: {  	[smem:$0x3F9D] =	sst lr;
	_ =	strace $0xD0000000  }
0x3: {  	_ = 	snop  }
0x4: {  	_ = 	snop  }
0x5: {  	_ = 	snop  }
0x6: {  	_ = 	snop  }
0x7: {  	_ = 	snop  }
__scs_overlays_trampoline_lowered:
0x8: {  	[smem:$0x3FAC] =	sst s0  }
0x9: {  	[smem:$0x3FAD] =	sst s1  }
0xa: {  	[smem:$0x3FAE] =	sst s2  }
0xb: {  	[smem:$0x3FAF] =	sst s3  }
0xc: {  	[smem:$0x3FB0] =	sst s4  }
0xd: {  	[smem:$0x3FB1] =	sst s5  }
0xe: {  	[smem:$0x3FB2] =	sst s6  }
0xf: {  	[smem:$0x3FB3] =	sst s7  }
0x10: {  	[smem:$0x3FB4] =	sst s8  }
0x11: {  	[smem:$0x3FB5] =	sst s9;
	s0 =	simm.s32 @!p0 $0x0  }
0x12: {  	s1 =	sld [smem:$0x3F9B];
	s0 =	simm.s32 @p0 $0x1  }
0x13: {  	[smem:$0x3FB6] =	sst s0;
	s0 =	simm.s32 @!p1 $0x0  }
0x14: {  	s2 =	sld [smem:$0x3F9A];
	s0 =	simm.s32 @p1 $0x1  }
0x15: {  	[smem:$0x3FB7] =	sst s0;
	s0 =	simm.s32 @!p2 $0x0  }
0x16: {  	s3 =	sld [smem:$0x3FDB];
	s0 =	simm.s32 @p2 $0x1  }
0x17: {  	s4 =	simm.s32 $0x1BF5;
	[smem:$0x3FB9] =	sst s0  }
0x18: {  	s0 =	sld [smem:$0x3F9C];
	_ =	swait.ge [sflag:s4], $0x0  }
0x19: {  	s7 =	sld [smem:$0x3F9D]  }
0x1a: {  	s8 =	sadd.s32 $0xFFFFE003, lr  }
0x1b: {  	s9 =	sadd.s32 $0xFFFFFEF7, lr;
	s5 =	simm.s32 $0xFFFFFFFF;
	p2 =	slt.u32 s8, $0xFFFFF086  }
0x1c: {  	p1 =	slt.u32 s9, $0xF7A;
	s5 =	simm.s32 @!p2 $0x0  }
0x1d: {  	s5 =	simm.s32 @p1 $0x1;
	p0 =	seq.s32 s7, s2  }
0x1e: {  	s7 =	smul.u32 @!p0 $0xF7A, s2;
	p2 =	seq.s32 @!p0 s5, $0x0  }
0x1f: {  	s9 =	smul.u32 $0xF7A, s1;
	s8 =	simm.s32 @!p0 $0x1BF5;
	p2 =	por !p2, p0  }
0x20: {  	[sflag:s8] =	ssyncset.s32 @!p0 $0xFFFFF086;
	s6 =	sadd.s32 @!p0 s3, s7;
	s7 =	simm.s32 @!p0 $0x108  }
0x21: {  	s3 =	sadd.s32 s3, s9;
	s6 =	sadd.s32 @!p0 $0x88, s6;
	s7 =	simm.s32 @p2 $0x1082  }
0x22: {  	[simem:s7], [sflag:s8] =	dma.local @!p0 [hbm:s6], $0xF7A  }
0x23: {  	s9 =	sor.u32 $0xD0000000, s2;
	s6 =	simm.s32 $0x108;
	_ =	swait.ge @!p0 [sflag:s8], $0x0  }
0x24: {  	s3 =	sadd.s32 $0x88, s3;
	s6 =	simm.s32 @!p1 $0x1082;
	[sflag:s4] =	ssyncset.s32 $0xFFFFF086  }
0x25: {  	[simem:s6], [sflag:s4] =	dma.local [hbm:s3], $0xF7A  }
0x26: {  	[smem:$0x3F9D] =	sst s1;
	(tag) =	ssettag s2;
	_ =	strace s9  }
0x27: {  	s1 =	sld [smem:$0x3FAD]  }
0x28: {  	s2 =	sld [smem:$0x3FAE]  }
0x29: {  	s4 =	sld [smem:$0x3FB0]  }
0x2a: {  	p0 =	seq.s32 s5, $0x0;
	s5 =	sld [smem:$0x3FB1]  }
0x2b: {  	s6 =	sld [smem:$0x3FB2]  }
0x2c: {  	s7 =	sld [smem:$0x3FB3]  }
0x2d: {  	s3 =	simm.s32 $0x108;
	s8 =	sld [smem:$0x3FB4]  }
0x2e: {  	s3 =	simm.s32 @!p0 $0x1082;
	s9 =	sld [smem:$0x3FB5]  }
0x2f: {  	lr =	sadd.s32 s0, s3;
	s0 =	sld [smem:$0x3FAC]  }
0x30: {  	s3 =	sld [smem:$0x3FAF]  }
0x31: {  	[smem:$0x3FB8] =	sst s10  }
0x32: {  	s10 =	sld [smem:$0x3FB6];
	_ =	sdelay $0x3  }
0x33: {  	p0 =	seq.s32 s10, $0x1;
	s10 =	sld [smem:$0x3FB8];
	_ =	sdelay $0x3  }
0x34: {  	[smem:$0x3FB8] =	sst s10  }
0x35: {  	s10 =	sld [smem:$0x3FB7];
	_ =	sdelay $0x3  }
0x36: {  	p1 =	seq.s32 s10, $0x1;
	s10 =	sld [smem:$0x3FB8];
	_ =	sdelay $0x3  }
0x37: {  	[smem:$0x3FB8] =	sst s10  }
0x38: {  	s10 =	sld [smem:$0x3FB9]  }
0x39: {  	_ = 	snop;
	(pc) =	sbr.ind lr, $3  }
0x3a: {  	_ = 	snop  }
0x3b: {  	_ = 	snop  }
0x3c: {  	p2 =	seq.s32 s10, $0x1;
	s10 =	sld [smem:$0x3FB8]  }
0x3d: {  	_ =	shalt  }
0x3e: {  	_ =	shalt  }
0x3f: {  	_ =	shalt  }
0x40: {  	_ =	shalt  }
0x41: {  	_ =	shalt  }
0x42: {  	_ =	shalt  }
0x43: {  	_ =	shalt  }
0x44: {  	_ =	shalt  }
0x45: {  	_ =	shalt  }
0x46: {  	_ =	shalt  }
0x47: {  	_ =	shalt  }
0x48: {  	_ =	shalt  }
0x49: {  	_ =	shalt  }
0x4a: {  	_ =	shalt  }
0x4b: {  	_ =	shalt  }
0x4c: {  	_ =	shalt  }
0x4d: {  	_ =	shalt  }
0x4e: {  	_ =	shalt  }
0x4f: {  	_ =	shalt  }
0x50: {  	_ =	shalt  }
0x51: {  	_ =	shalt  }
0x52: {  	_ =	shalt  }
0x53: {  	_ =	shalt  }
0x54: {  	_ =	shalt  }
0x55: {  	_ =	shalt  }
0x56: {  	_ =	shalt  }
0x57: {  	_ =	shalt  }
0x58: {  	_ =	shalt  }
0x59: {  	_ =	shalt  }
0x5a: {  	_ =	shalt  }
0x5b: {  	_ =	shalt  }
0x5c: {  	_ =	shalt  }
0x5d: {  	_ =	shalt  }
0x5e: {  	_ =	shalt  }
0x5f: {  	_ =	shalt  }
0x60: {  	_ =	shalt  }
0x61: {  	_ =	shalt  }
0x62: {  	_ =	shalt  }
0x63: {  	_ =	shalt  }
0x64: {  	_ =	shalt  }
0x65: {  	_ =	shalt  }
0x66: {  	_ =	shalt  }
0x67: {  	_ =	shalt  }
0x68: {  	_ =	shalt  }
0x69: {  	_ =	shalt  }
0x6a: {  	_ =	shalt  }
0x6b: {  	_ =	shalt  }
0x6c: {  	_ =	shalt  }
0x6d: {  	_ =	shalt  }
0x6e: {  	_ =	shalt  }
0x6f: {  	_ =	shalt  }
0x70: {  	_ =	shalt  }
0x71: {  	_ =	shalt  }
0x72: {  	_ =	shalt  }
0x73: {  	_ =	shalt  }
0x74: {  	_ =	shalt  }
0x75: {  	_ =	shalt  }
0x76: {  	_ =	shalt  }
0x77: {  	_ =	shalt  }
0x78: {  	_ =	shalt  }
0x79: {  	_ =	shalt  }
0x7a: {  	_ =	shalt  }
0x7b: {  	_ =	shalt  }
0x7c: {  	_ =	shalt  }
0x7d: {  	_ =	shalt  }
0x7e: {  	_ =	shalt  }
0x7f: {  	_ =	shalt  }
0x80: {  	_ =	shalt  }
0x81: {  	_ =	shalt  }
0x82: {  	_ =	shalt  }
0x83: {  	_ =	shalt  }
0x84: {  	_ =	shalt  }
0x85: {  	_ =	shalt  }
0x86: {  	_ =	shalt  }
0x87: {  	_ =	shalt  }
.Lfunc_end0:
.L_simem_size_0:
called_computation_lowered:
.L_overlay_start_0:
0x88: {  	s2 =	sld [smem:$0x3FD9]  }
0x89: {  	s3 =	sld [smem:$0x3FFE];
	_ =	sdelay $0x1  }
0x8a: {  	s1 =	srdreg.scid  }
0x8b: {  	s0 =	sand.u32 $0x1, s1  }
0x8c: {  	s17 =	sshll.u32 s0, $0xA;
	s2 =	sadd.s32 s3, s2  }
0x8d: {  	s2 =	sadd.s32 s2, s17  }
0x8e: {  	[smem:$0x3FC4] =	sst s2  }
0x8f: {  	_ = 	snop  }
0x90: {  	s2 =	sld [smem:$0x3FC9]  }
0x91: {  	s18 =	sld [smem:$0x3FD0];
	(tm) =	ssettm $0x1  }
0x92: {  	s4 =	sld [smem:$0x3FFB];
	_ =	sdelay $0x3  }
0x93: {  	_ =	strace s4  }
0x94: {  	s4 =	sld [smem:$0x3FFC];
	_ =	sdelay $0x3  }
0x95: {  	_ =	strace s4  }
0x96: {  	s4 =	sld [smem:$0x3FFD];
	_ =	sdelay $0x3  }
0x97: {  	_ =	strace s4  }
0x98: {  	_ =	strace $0x8FFFFFFF  }
0x99: {  	s19 =	sld [smem:$0x3FDB];
	_ =	sdelay $0x1  }
0x9a: {  	s5 =	simm.s32 $_scs_section_size  }
0x9b: {  	s6 =	simm.s32 $_size__tile_overlayer_lowered;
	s7 =	simm.s32 $_tile_overlayer_lowered  }
0x9c: {  	s22 =	simm.s32 $0x1BFF;
	s21 =	sshll.u32 s7, $0x1;
	s4 =	sadd.s32 s5, s19  }
0x9d: {  	s8 =	simm.s32 $0x0;
	s20 =	sshll.u32 s6, $0x1;
	s6 =	sadd.s32 s21, s4  }
0x9e: {  	[timem:s8], [sflag:s22] =	dma.local [hbm:s6], s20  }
0x9f: {  	_ =	swait.ge [sflag:s22], s20  }
0xa0: {  	s5 =	ssub.s32 $0x0, s20;
	[sflag:s22] =	ssyncset.done $0x0  }
0xa1: {  	[sflag:s22] =	ssyncadd.s32 s5;
	_ =	sdelay $0x1  }
0xa2: {  	s23 =	simm.s32 $0x1B8B  }
0xa3: {  	_ =	swait.ge [sflag:s23], $0x1  }
0xa4: {  	[sflag:s23] =	ssyncset.done $0x0  }
0xa5: {  	s25 =	simm.s32 $0x1B8E;
	s24 =	sld [smem:$0x3FFE];
	[sflag:s23] =	ssyncadd.s32 $0xFFFFFFFF  }
0xa6: {  	s26 =	simm.s32 $execute0_lowered;
	[smem:$0x3FD2] =	sst s25  }
0xa7: {  	s6 =	sshll.u32 s26, $0x1;
	_ =	strace $0x80000046;
	[dreg:$0x1] =	wrdreg $0xFFFFFFFF  }
0xa8: {  	s28 =	simm.s32 $_size_execute0_lowered;
	s4 =	sadd.s32 s4, s6;
	[dreg:$0x0] =	wrdreg $0x0  }
0xa9: {  	s6 =	sshll.u32 s28, $0x1;
	[dreg:$0x2] =	wrdreg s4  }
0xaa: {  	[dreg:$0x3] =	wrdreg s6  }
0xab: {  	[dreg:$0x4] =	wrdreg $0xC0  }
0xac: {  	_ =	task [dreg:s8], $0x5FFFF  }
0xad: {  	[dreg:$0x1] =	wrdreg $0xFFFFFFFF  }
0xae: {  	[dreg:$0x0] =	wrdreg $0x60  }
0xaf: {  	[dreg:$0x2] =	wrdreg s2  }
0xb0: {  	[dreg:$0x3] =	wrdreg s24  }
0xb1: {  	[dreg:$0x4] =	wrdreg s18  }
0xb2: {  	[dreg:$0x5] =	wrdreg $0x9  }
0xb3: {  	_ =	task.clear_ibuf [dreg:s8], $0x6FFFF;
	_ =	strace $0x90000046  }
0xb4: {  	s29 =	simm.s32 $0x9;
	_ =	strace $0x80000048  }
0xb5: {  	_ =	swait.ge [sflag:s29], $0x1  }
0xb6: {  	[sflag:s29] =	ssyncadd.s32 $0xFFFFFFFF  }
0xb7: {  	_ =	strace $0x90000048  }
0xb8: {  	_ =	sfence  }
0xb9: {  	s30 =	sld [smem:$0x0];
	_ =	sdelay $0x2  }
0xba: {  	s31 =	sshll.u32 s1, $0xD;
	s1 =	sshrl.u32 s1, $0x2  }
0xbb: {  	s3 =	sand.u32 $0x4000, s31;
	s1 =	sadd.s32 s1, s30  }
0xbc: {  	s0 =	sor.u32 s3, s0;
	s1 =	sshll.u32 s1, $0x11  }
0xbd: {  	s0 =	sor.u32 s1, s0  }
0xbe: {  	s0 =	sadd.s32 $0x8F2B, s0  }
0xbf: {  	[sflag:s0] =	ssyncadd.remote.s32 $0x1  }
0xc0: {  	_ =	sfence.sel $0xFFFF  }
0xc1: {  	[dreg:$0x0] =	wrdreg $0xFFFFFFFF;
	(pc) =	sbr.abs _section_cstart, $3  }
0xc2: {  	[dreg:$0x1] =	wrdreg $0xFFFFFFFF  }
0xc3: {  	_ =	task.clear_ibuf [dreg:s8], $0x2FFFF;
	_ =	strace $0x9FFFFFFF  }
0xc4: {  	(tm) =	ssettm $0x7FFFFFFF  }
0xc5: {  	_ =	shalt  }
tec
execute0_lowered:
.L_overlay_start_1:
0x0: {  	(tag) =	ssettag $0x1  }
0x1: {  	s6 =	rddreg [dreg:$0x0]  }
0x2: {  	s5 =	rddreg [dreg:$0x1]  }
0x3: {  	s2 =	rddreg [dreg:$0x2];
	s4 =	srdreg.scid  }
0x4: {  	s3 =	simm.s32 $0x0;
	s0 =	stileid.u32;
	s10 =	simm.s32 $0x3  }
0x5: {  	s11 =	simm.s32 $0x80;
	s12 =	simm.s32 $0xC800;
	s13 =	simm.s32 $0x10800  }
0x6: {  	s14 =	simm.s32 $0x1;
	s15 =	simm.s32 $0x2;
	s16 =	simm.s32 $0x0  }
0x7: {  	s4 =	sand.u32 $0x1, s4;
	s8 =	sshll.u32 s0, $0xB;
	[smem:$0x7FF] =	sst s3  }
0x8: {  	s5 =	sadd.s32 $0x188C00, s5;
	s7 =	ssub.s32 $0x2, s4;
	s4 =	sshll.u32 s4, $0xA  }
0x9: {  	_ =	strace $0x80000047;
	s9 =	sshrl.u32 s7, $0x1;
	s4 =	sor.u32 s4, s8  }
0xa: {  	v1 =	vlaneseq.u32;
	s7 =	ssub.s32 s7, s9;
	s8 =	sshrl.u32 s4, $0x3;
	s9 =	simm.s32 $0x8000  }
0xb: {  	v0 =	vimm.s32 $0x0;
	v1 =	vmul.u32 $0x80, v1;
	s6 =	sadd.s32 s6, s8;
	s7 =	smax.u32 s7, $0x1;
	s8 =	simm.s32 $0x400  }
.LBB2_1:
0xc: {  	[tilespmem:s3], [sflag:$0x3] =	stream.strided.gather [hbm4b:s6+s8], $0x6400, s9, s8, $0x38;
	[tilespmem:$0x1C800] =	vst v63  }
0xd: {  	_ =	swait.ge [sflag:s10], $0x6400  }
0xe: {  	[sflag:s10] =	ssyncset.done $0x0  }
0xf: {  	s17 =	simm.s32 $0x100;
	[sflag:s10] =	ssyncadd.s32 $0xFFFF9C00  }
0x10: {  	v2 =	vld [tilespmem:s17+$0x80];
	_ =	sdelay $0x2  }
0x11: {  	v3 =	vld [tilespmem:s17+$0xFFFFFF00];
	_ =	sdelay $0x1  }
0x12: {  	vm0 =	vgt.s32 v2, $0x1869F  }
0x13: {  	v4 =	vld [tilespmem:s17+$0xFFFFFF80];
	v5 =	vsel vm0, $0xFFFE7960, v0  }
0x14: {  	v2 =	vadd.s32 v2, v5  }
0x15: {  	s18 =	simm.s32 $0x6500;
	vm1 =	vgt.s32 v3, $0x1869F;
	v5 =	vld [tilespmem:s17+$0x0];
	[tilespmem:s17+$0x80] =	vst v2;
	v2 =	vsel vm0, $0x40, v0  }
0x16: {  	v6 =	vsel vm1, $0xFFFE7960, v0;
	[tilespmem:s18+$0x80] =	vst v2  }
0x17: {  	v2 =	vadd.s32 v3, v6;
	v3 =	vld [tilespmem:s17+$0x90]  }
0x18: {  	vm0 =	vgt.s32 v4, $0x1869F;
	v6 =	vsel vm1, $0x40, v0;
	[tilespmem:s17+$0xFFFFFF00] =	vst v2  }
0x19: {  	v2 =	vsel vm0, $0xFFFE7960, v0;
	[tilespmem:s18+$0xFFFFFF00] =	vst v6  }
0x1a: {  	v2 =	vadd.s32 v4, v2;
	vm1 =	vgt.s32 v5, $0x1869F;
	v4 =	vld [tilespmem:s17+$0xFFFFFF10]  }
0x1b: {  	[tilespmem:s17+$0xFFFFFF80] =	vst v2;
	v2 =	vsel vm0, $0x40, v0;
	v6 =	vsel vm1, $0xFFFE7960, v0  }
0x1c: {  	[tilespmem:s18+$0xFFFFFF80] =	vst v2;
	v5 =	vadd.s32 v5, v6;
	vm0 =	vgt.s32 v3, $0x1869F  }
0x1d: {  	v2 =	vsel vm1, $0x40, v0;
	v6 =	vld [tilespmem:s17+$0xFFFFFF90];
	[tilespmem:s17+$0x0] =	vst v5;
	v5 =	vsel vm0, $0xFFFE7960, v0  }
0x1e: {  	[tilespmem:s18+$0x0] =	vst v2;
	v2 =	vadd.s32 v3, v5  }
0x1f: {  	vm1 =	vgt.s32 v4, $0x1869F;
	v3 =	vld [tilespmem:s17+$0x10];
	[tilespmem:s17+$0x90] =	vst v2;
	v2 =	vsel vm0, $0x40, v0  }
0x20: {  	v5 =	vsel vm1, $0xFFFE7960, v0;
	[tilespmem:s18+$0x90] =	vst v2  }
0x21: {  	v2 =	vadd.s32 v4, v5;
	v4 =	vld [tilespmem:s17+$0xA0]  }
0x22: {  	v5 =	vsel vm1, $0x40, v0;
	vm0 =	vgt.s32 v6, $0x1869F;
	[tilespmem:s17+$0xFFFFFF10] =	vst v2  }
0x23: {  	v2 =	vsel vm0, $0xFFFE7960, v0;
	[tilespmem:s18+$0xFFFFFF10] =	vst v5  }
0x24: {  	v2 =	vadd.s32 v6, v2;
	v5 =	vld [tilespmem:s17+$0xFFFFFF20];
	vm1 =	vgt.s32 v3, $0x1869F  }
0x25: {  	v6 =	vsel vm0, $0x40, v0;
	[tilespmem:s17+$0xFFFFFF90] =	vst v2;
	v2 =	vsel vm1, $0xFFFE7960, v0  }
0x26: {  	[tilespmem:s18+$0xFFFFFF90] =	vst v6;
	v2 =	vadd.s32 v3, v2;
	vm0 =	vgt.s32 v4, $0x1869F  }
0x27: {  	v3 =	vsel vm1, $0x40, v0;
	v6 =	vld [tilespmem:s17+$0xFFFFFFA0];
	[tilespmem:s17+$0x10] =	vst v2;
	v2 =	vsel vm0, $0xFFFE7960, v0  }
0x28: {  	[tilespmem:s18+$0x10] =	vst v3;
	v2 =	vadd.s32 v4, v2  }
0x29: {  	vm1 =	vgt.s32 v5, $0x1869F;
	v3 =	vld [tilespmem:s17+$0x20];
	[tilespmem:s17+$0xA0] =	vst v2;
	v2 =	vsel vm0, $0x40, v0  }
0x2a: {  	v4 =	vsel vm1, $0xFFFE7960, v0;
	[tilespmem:s18+$0xA0] =	vst v2  }
0x2b: {  	v2 =	vadd.s32 v5, v4;
	v4 =	vld [tilespmem:s17+$0xB0]  }
0x2c: {  	v5 =	vsel vm1, $0x40, v0;
	vm0 =	vgt.s32 v6, $0x1869F;
	[tilespmem:s17+$0xFFFFFF20] =	vst v2  }
0x2d: {  	v2 =	vsel vm0, $0xFFFE7960, v0;
	[tilespmem:s18+$0xFFFFFF20] =	vst v5  }
0x2e: {  	v2 =	vadd.s32 v6, v2;
	v5 =	vld [tilespmem:s17+$0xFFFFFF30];
	vm1 =	vgt.s32 v3, $0x1869F  }
0x2f: {  	v6 =	vsel vm0, $0x40, v0;
	[tilespmem:s17+$0xFFFFFFA0] =	vst v2;
	v2 =	vsel vm1, $0xFFFE7960, v0  }
0x30: {  	[tilespmem:s18+$0xFFFFFFA0] =	vst v6;
	v2 =	vadd.s32 v3, v2;
	vm0 =	vgt.s32 v4, $0x1869F  }
0x31: {  	v3 =	vsel vm1, $0x40, v0;
	v6 =	vld [tilespmem:s17+$0xFFFFFFB0];
	[tilespmem:s17+$0x20] =	vst v2;
	v2 =	vsel vm0, $0xFFFE7960, v0  }
0x32: {  	[tilespmem:s18+$0x20] =	vst v3;
	v2 =	vadd.s32 v4, v2  }
0x33: {  	vm1 =	vgt.s32 v5, $0x1869F;
	v3 =	vld [tilespmem:s17+$0x30];
	[tilespmem:s17+$0xB0] =	vst v2;
	v2 =	vsel vm0, $0x40, v0  }
0x34: {  	v4 =	vsel vm1, $0xFFFE7960, v0;
	[tilespmem:s18+$0xB0] =	vst v2  }
0x35: {  	v2 =	vadd.s32 v5, v4;
	v4 =	vld [tilespmem:s17+$0xC0]  }
0x36: {  	v5 =	vsel vm1, $0x40, v0;
	vm0 =	vgt.s32 v6, $0x1869F;
	[tilespmem:s17+$0xFFFFFF30] =	vst v2  }
0x37: {  	v2 =	vsel vm0, $0xFFFE7960, v0;
	[tilespmem:s18+$0xFFFFFF30] =	vst v5  }
0x38: {  	v2 =	vadd.s32 v6, v2;
	v5 =	vld [tilespmem:s17+$0xFFFFFF40];
	vm1 =	vgt.s32 v3, $0x1869F  }
0x39: {  	v6 =	vsel vm0, $0x40, v0;
	[tilespmem:s17+$0xFFFFFFB0] =	vst v2;
	v2 =	vsel vm1, $0xFFFE7960, v0  }
0x3a: {  	[tilespmem:s18+$0xFFFFFFB0] =	vst v6;
	v2 =	vadd.s32 v3, v2;
	vm0 =	vgt.s32 v4, $0x1869F  }
0x3b: {  	v3 =	vsel vm1, $0x40, v0;
	v6 =	vld [tilespmem:s17+$0xFFFFFFC0];
	[tilespmem:s17+$0x30] =	vst v2;
	v2 =	vsel vm0, $0xFFFE7960, v0  }
0x3c: {  	[tilespmem:s18+$0x30] =	vst v3;
	v2 =	vadd.s32 v4, v2  }
0x3d: {  	vm1 =	vgt.s32 v5, $0x1869F;
	v3 =	vld [tilespmem:s17+$0x40];
	[tilespmem:s17+$0xC0] =	vst v2;
	v2 =	vsel vm0, $0x40, v0  }
0x3e: {  	v4 =	vsel vm1, $0xFFFE7960, v0;
	[tilespmem:s18+$0xC0] =	vst v2  }
0x3f: {  	v2 =	vadd.s32 v5, v4;
	v4 =	vld [tilespmem:s17+$0xD0]  }
0x40: {  	v5 =	vsel vm1, $0x40, v0;
	vm0 =	vgt.s32 v6, $0x1869F;
	[tilespmem:s17+$0xFFFFFF40] =	vst v2  }
0x41: {  	v2 =	vsel vm0, $0xFFFE7960, v0;
	[tilespmem:s18+$0xFFFFFF40] =	vst v5  }
0x42: {  	v2 =	vadd.s32 v6, v2;
	v5 =	vld [tilespmem:s17+$0xFFFFFF50];
	vm1 =	vgt.s32 v3, $0x1869F  }
0x43: {  	v6 =	vsel vm0, $0x40, v0;
	[tilespmem:s17+$0xFFFFFFC0] =	vst v2;
	v2 =	vsel vm1, $0xFFFE7960, v0  }
0x44: {  	[tilespmem:s18+$0xFFFFFFC0] =	vst v6;
	v2 =	vadd.s32 v3, v2;
	vm0 =	vgt.s32 v4, $0x1869F  }
0x45: {  	v3 =	vsel vm1, $0x40, v0;
	[tilespmem:s17+$0x40] =	vst v2;
	v2 =	vsel vm0, $0xFFFE7960, v0  }
0x46: {  	v6 =	vld [tilespmem:s17+$0xFFFFFFD0];
	[tilespmem:s18+$0x40] =	vst v3;
	v2 =	vadd.s32 v4, v2  }
0x47: {  	vm1 =	vgt.s32 v5, $0x1869F;
	[tilespmem:s17+$0xD0] =	vst v2;
	v2 =	vsel vm0, $0x40, v0  }
0x48: {  	v3 =	vld [tilespmem:s17+$0x50];
	v4 =	vsel vm1, $0xFFFE7960, v0;
	[tilespmem:s18+$0xD0] =	vst v2  }
0x49: {  	v2 =	vadd.s32 v5, v4;
	v4 =	vld [tilespmem:s17+$0xE0]  }
0x4a: {  	v5 =	vsel vm1, $0x40, v0;
	[tilespmem:s17+$0xFFFFFF50] =	vst v2  }
0x4b: {  	vm0 =	vgt.s32 v6, $0x1869F;
	[tilespmem:s18+$0xFFFFFF50] =	vst v5  }
0x4c: {  	s19 =	simm.s32 $0x300;
	v2 =	vsel vm0, $0xFFFE7960, v0;
	v5 =	vld [tilespmem:s17+$0xFFFFFF60]  }
0x4d: {  	v2 =	vadd.s32 v6, v2;
	v6 =	vld [tilespmem:s19+$0x80];
	vm1 =	vgt.s32 v3, $0x1869F  }
0x4e: {  	v7 =	vsel vm0, $0x40, v0;
	[tilespmem:s17+$0xFFFFFFD0] =	vst v2;
	v2 =	vsel vm1, $0xFFFE7960, v0;
	vm2 =	vgt.s32 v4, $0x1869F  }
0x4f: {  	[tilespmem:s18+$0xFFFFFFD0] =	vst v7;
	v7 =	vld [tilespmem:s19+$0xFFFFFF80];
	v2 =	vadd.s32 v3, v2;
	v3 =	vsel vm2, $0xFFFE7960, v0  }
0x50: {  	[tilespmem:s17+$0x50] =	vst v2;
	v2 =	vld [tilespmem:s19+$0xFFFFFF00];
	v3 =	vadd.s32 v4, v3  }
0x51: {  	vm0 =	vgt.s32 v5, $0x1869F;
	[tilespmem:s17+$0xE0] =	vst v3;
	v3 =	vsel vm2, $0x40, v0  }
0x52: {  	v4 =	vsel vm1, $0x40, v0;
	vm1 =	vgt.s32 v6, $0x1869F;
	v8 =	vsel vm0, $0xFFFE7960, v0;
	[tilespmem:s18+$0xE0] =	vst v3  }
0x53: {  	[tilespmem:s18+$0x50] =	vst v4;
	v3 =	vsel vm1, $0xFFFE7960, v0;
	v4 =	vadd.s32 v5, v8;
	v5 =	vld [tilespmem:s17+$0xF0]  }
0x54: {  	vm2 =	vgt.s32 v7, $0x1869F;
	v3 =	vadd.s32 v6, v3;
	[tilespmem:s17+$0xFFFFFF60] =	vst v4  }
0x55: {  	s20 =	simm.s32 $0x6700;
	v4 =	vld [tilespmem:s19+$0x0];
	v6 =	vsel vm2, $0xFFFE7960, v0;
	vm3 =	vgt.s32 v2, $0x1869F;
	[tilespmem:s19+$0x80] =	vst v3;
	v3 =	vsel vm1, $0x40, v0  }
0x56: {  	v8 =	vsel vm3, $0xFFFE7960, v0;
	v6 =	vadd.s32 v7, v6;
	[tilespmem:s20+$0x80] =	vst v3  }
0x57: {  	v2 =	vadd.s32 v2, v8;
	[tilespmem:s19+$0xFFFFFF80] =	vst v6;
	v3 =	vld [tilespmem:s19+$0x90]  }
0x58: {  	v6 =	vsel vm3, $0x40, v0;
	[tilespmem:s19+$0xFFFFFF00] =	vst v2;
	vm1 =	vgt.s32 v5, $0x1869F  }
0x59: {  	v2 =	vsel vm2, $0x40, v0;
	[tilespmem:s20+$0xFFFFFF00] =	vst v6;
	v6 =	vsel vm1, $0xFFFE7960, v0  }
0x5a: {  	[tilespmem:s20+$0xFFFFFF80] =	vst v2;
	vm2 =	vgt.s32 v4, $0x1869F;
	v7 =	vld [tilespmem:s19+$0xFFFFFF10];
	v2 =	vadd.s32 v5, v6  }
0x5b: {  	v5 =	vsel vm2, $0xFFFE7960, v0;
	[tilespmem:s17+$0xF0] =	vst v2;
	v2 =	vsel vm1, $0x40, v0  }
0x5c: {  	v4 =	vadd.s32 v4, v5;
	v5 =	vld [tilespmem:s19+$0xFFFFFF90];
	vm1 =	vgt.s32 v3, $0x1869F;
	[tilespmem:s18+$0xF0] =	vst v2  }
0x5d: {  	v2 =	vsel vm2, $0x40, v0;
	[tilespmem:s19+$0x0] =	vst v4;
	v4 =	vsel vm1, $0xFFFE7960, v0  }
0x5e: {  	v6 =	vld [tilespmem:s17+$0xFFFFFFE0];
	[tilespmem:s20+$0x0] =	vst v2;
	v2 =	vadd.s32 v3, v4  }
0x5f: {  	vm2 =	vgt.s32 v7, $0x1869F;
	v3 =	vld [tilespmem:s19+$0x10];
	[tilespmem:s19+$0x90] =	vst v2;
	v2 =	vsel vm1, $0x40, v0  }
0x60: {  	v4 =	vsel vm0, $0x40, v0;
	v8 =	vsel vm2, $0xFFFE7960, v0;
	[tilespmem:s20+$0x90] =	vst v2  }
0x61: {  	[tilespmem:s18+$0xFFFFFF60] =	vst v4;
	v2 =	vadd.s32 v7, v8;
	vm0 =	vgt.s32 v5, $0x1869F;
	v7 =	vld [tilespmem:s19+$0xA0]  }
0x62: {  	v4 =	vsel vm2, $0x40, v0;
	[tilespmem:s19+$0xFFFFFF10] =	vst v2;
	v8 =	vsel vm0, $0xFFFE7960, v0  }
0x63: {  	vm1 =	vgt.s32 v6, $0x1869F;
	[tilespmem:s20+$0xFFFFFF10] =	vst v4;
	v2 =	vadd.s32 v5, v8  }
0x64: {  	v4 =	vsel vm1, $0xFFFE7960, v0;
	v5 =	vsel vm0, $0x40, v0;
	v8 =	vld [tilespmem:s19+$0xFFFFFF20];
	[tilespmem:s19+$0xFFFFFF90] =	vst v2;
	vm0 =	vgt.s32 v3, $0x1869F  }
0x65: {  	v2 =	vadd.s32 v6, v4;
	[tilespmem:s20+$0xFFFFFF90] =	vst v5;
	v4 =	vsel vm0, $0xFFFE7960, v0  }
0x66: {  	[tilespmem:s17+$0xFFFFFFE0] =	vst v2;
	v5 =	vld [tilespmem:s19+$0xFFFFFFA0];
	v3 =	vadd.s32 v3, v4;
	vm2 =	vgt.s32 v7, $0x1869F  }
0x67: {  	v2 =	vsel vm0, $0x40, v0;
	[tilespmem:s19+$0x10] =	vst v3;
	v3 =	vsel vm2, $0xFFFE7960, v0  }
0x68: {  	v4 =	vld [tilespmem:s17+$0x60];
	[tilespmem:s20+$0x10] =	vst v2;
	v2 =	vadd.s32 v7, v3  }
0x69: {  	vm0 =	vgt.s32 v8, $0x1869F;
	v3 =	vld [tilespmem:s19+$0x20];
	[tilespmem:s19+$0xA0] =	vst v2;
	v2 =	vsel vm2, $0x40, v0  }
0x6a: {  	v6 =	vsel vm1, $0x40, v0;
	v7 =	vsel vm0, $0xFFFE7960, v0;
	[tilespmem:s20+$0xA0] =	vst v2  }
0x6b: {  	[tilespmem:s18+$0xFFFFFFE0] =	vst v6;
	v2 =	vadd.s32 v8, v7;
	vm1 =	vgt.s32 v5, $0x1869F;
	v7 =	vld [tilespmem:s19+$0xB0]  }
0x6c: {  	v6 =	vsel vm0, $0x40, v0;
	[tilespmem:s19+$0xFFFFFF20] =	vst v2;
	v2 =	vsel vm1, $0xFFFE7960, v0  }
0x6d: {  	vm0 =	vgt.s32 v4, $0x1869F;
	[tilespmem:s20+$0xFFFFFF20] =	vst v6;
	v2 =	vadd.s32 v5, v2  }
0x6e: {  	v6 =	vsel vm1, $0x40, v0;
	v5 =	vsel vm0, $0xFFFE7960, v0;
	v8 =	vld [tilespmem:s19+$0xFFFFFF30];
	[tilespmem:s19+$0xFFFFFFA0] =	vst v2;
	vm1 =	vgt.s32 v3, $0x1869F  }
0x6f: {  	v2 =	vadd.s32 v4, v5;
	[tilespmem:s20+$0xFFFFFFA0] =	vst v6;
	v4 =	vsel vm1, $0xFFFE7960, v0  }
0x70: {  	[tilespmem:s17+$0x60] =	vst v2;
	v5 =	vld [tilespmem:s19+$0xFFFFFFB0];
	v3 =	vadd.s32 v3, v4;
	vm2 =	vgt.s32 v7, $0x1869F  }
0x71: {  	v2 =	vsel vm1, $0x40, v0;
	[tilespmem:s19+$0x20] =	vst v3;
	v3 =	vsel vm2, $0xFFFE7960, v0  }
0x72: {  	v4 =	vld [tilespmem:s17+$0xFFFFFF70];
	[tilespmem:s20+$0x20] =	vst v2;
	v2 =	vadd.s32 v7, v3  }
0x73: {  	vm1 =	vgt.s32 v8, $0x1869F;
	v3 =	vld [tilespmem:s19+$0x30];
	[tilespmem:s19+$0xB0] =	vst v2;
	v2 =	vsel vm2, $0x40, v0  }
0x74: {  	v6 =	vsel vm0, $0x40, v0;
	v7 =	vsel vm1, $0xFFFE7960, v0;
	[tilespmem:s20+$0xB0] =	vst v2  }
0x75: {  	[tilespmem:s18+$0x60] =	vst v6;
	v2 =	vadd.s32 v8, v7;
	vm0 =	vgt.s32 v5, $0x1869F;
	v7 =	vld [tilespmem:s19+$0xC0]  }
0x76: {  	v6 =	vsel vm1, $0x40, v0;
	[tilespmem:s19+$0xFFFFFF30] =	vst v2;
	v2 =	vsel vm0, $0xFFFE7960, v0  }
0x77: {  	vm1 =	vgt.s32 v4, $0x1869F;
	[tilespmem:s20+$0xFFFFFF30] =	vst v6;
	v2 =	vadd.s32 v5, v2  }
0x78: {  	v6 =	vsel vm0, $0x40, v0;
	v5 =	vsel vm1, $0xFFFE7960, v0;
	v8 =	vld [tilespmem:s19+$0xFFFFFF40];
	[tilespmem:s19+$0xFFFFFFB0] =	vst v2;
	vm0 =	vgt.s32 v3, $0x1869F  }
0x79: {  	v2 =	vadd.s32 v4, v5;
	[tilespmem:s20+$0xFFFFFFB0] =	vst v6;
	v4 =	vsel vm0, $0xFFFE7960, v0  }
0x7a: {  	[tilespmem:s17+$0xFFFFFF70] =	vst v2;
	v5 =	vld [tilespmem:s19+$0xFFFFFFC0];
	v3 =	vadd.s32 v3, v4;
	vm2 =	vgt.s32 v7, $0x1869F  }
0x7b: {  	v2 =	vsel vm0, $0x40, v0;
	[tilespmem:s19+$0x30] =	vst v3;
	v3 =	vsel vm2, $0xFFFE7960, v0  }
0x7c: {  	v4 =	vld [tilespmem:s17+$0xFFFFFFF0];
	[tilespmem:s20+$0x30] =	vst v2;
	v2 =	vadd.s32 v7, v3  }
0x7d: {  	vm0 =	vgt.s32 v8, $0x1869F;
	v3 =	vld [tilespmem:s19+$0x40];
	[tilespmem:s19+$0xC0] =	vst v2;
	v2 =	vsel vm2, $0x40, v0  }
0x7e: {  	v6 =	vsel vm1, $0x40, v0;
	v7 =	vsel vm0, $0xFFFE7960, v0;
	[tilespmem:s20+$0xC0] =	vst v2  }
0x7f: {  	[tilespmem:s18+$0xFFFFFF70] =	vst v6;
	v2 =	vadd.s32 v8, v7;
	vm1 =	vgt.s32 v5, $0x1869F;
	v7 =	vld [tilespmem:s19+$0xD0]  }
0x80: {  	v6 =	vsel vm0, $0x40, v0;
	[tilespmem:s19+$0xFFFFFF40] =	vst v2;
	v2 =	vsel vm1, $0xFFFE7960, v0  }
0x81: {  	vm0 =	vgt.s32 v4, $0x1869F;
	[tilespmem:s20+$0xFFFFFF40] =	vst v6;
	v2 =	vadd.s32 v5, v2  }
0x82: {  	v6 =	vsel vm1, $0x40, v0;
	v5 =	vsel vm0, $0xFFFE7960, v0;
	v8 =	vld [tilespmem:s19+$0xFFFFFF50];
	[tilespmem:s19+$0xFFFFFFC0] =	vst v2;
	vm1 =	vgt.s32 v3, $0x1869F  }
0x83: {  	v2 =	vadd.s32 v4, v5;
	[tilespmem:s20+$0xFFFFFFC0] =	vst v6;
	v4 =	vsel vm1, $0xFFFE7960, v0  }
0x84: {  	[tilespmem:s17+$0xFFFFFFF0] =	vst v2;
	v5 =	vld [tilespmem:s19+$0xFFFFFFD0];
	v3 =	vadd.s32 v3, v4;
	vm2 =	vgt.s32 v7, $0x1869F  }
0x85: {  	v9 =	vld [tilespmem:s17+$0x70];
	v2 =	vsel vm1, $0x40, v0;
	[tilespmem:s19+$0x40] =	vst v3;
	v3 =	vsel vm2, $0xFFFE7960, v0  }
0x86: {  	[tilespmem:s20+$0x40] =	vst v2;
	v2 =	vadd.s32 v7, v3  }
0x87: {  	vm1 =	vgt.s32 v8, $0x1869F;
	v4 =	vld [tilespmem:s19+$0x50];
	[tilespmem:s19+$0xD0] =	vst v2;
	v2 =	vsel vm2, $0x40, v0  }
0x88: {  	v3 =	vsel vm0, $0x40, v0;
	v6 =	vsel vm1, $0xFFFE7960, v0;
	[tilespmem:s20+$0xD0] =	vst v2  }
0x89: {  	[tilespmem:s18+$0xFFFFFFF0] =	vst v3;
	v2 =	vadd.s32 v8, v6;
	vm0 =	vgt.s32 v5, $0x1869F;
	v6 =	vld [tilespmem:s19+$0xE0]  }
0x8a: {  	vm2 =	vgt.s32 v9, $0x1869F;
	v3 =	vsel vm1, $0x40, v0;
	[tilespmem:s19+$0xFFFFFF50] =	vst v2;
	v7 =	vsel vm0, $0xFFFE7960, v0  }
0x8b: {  	v8 =	vsel vm2, $0xFFFE7960, v0;
	v2 =	vsel vm2, $0x40, v0;
	[tilespmem:s20+$0xFFFFFF50] =	vst v3;
	v10 =	vadd.s32 v5, v7  }
0x8c: {  	s21 =	simm.s32 $0x4;
	s22 =	simm.s32 $0x500;
	v3 =	vadd.s32 v9, v8;
	v7 =	vsel vm0, $0x40, v0;
	v5 =	vld [tilespmem:s19+$0xFFFFFF60];
	[tilespmem:s19+$0xFFFFFFD0] =	vst v10;
	vm0 =	vgt.s32 v4, $0x1869F  }
.LBB2_2:
0x8d: {  	v8 =	vld [tilespmem:s22+$0x80];
	[tilespmem:s20+$0xFFFFFFD0] =	vst v7;
	v7 =	vsel vm0, $0xFFFE7960, v0;
	v9 =	vsel vm0, $0x40, v0  }
0x8e: {  	v10 =	vld [tilespmem:s22+$0xFFFFFF80];
	v4 =	vadd.s32 v4, v7;
	vm0 =	vgt.s32 v6, $0x1869F;
	[tilespmem:s17+$0x70] =	vst v3;
	s17 =	smov.u32 s19;
	s19 =	smov.u32 s22  }
0x8f: {  	v3 =	vld [tilespmem:s22+$0x0];
	[tilespmem:s17+$0x50] =	vst v4;
	v4 =	vsel vm0, $0xFFFE7960, v0  }
0x90: {  	v7 =	vld [tilespmem:s22+$0xFFFFFF00];
	[tilespmem:s20+$0x50] =	vst v9;
	v4 =	vadd.s32 v6, v4  }
0x91: {  	vm1 =	vgt.s32 v5, $0x1869F;
	v6 =	vld [tilespmem:s17+$0xFFFFFFE0];
	[tilespmem:s17+$0xE0] =	vst v4;
	v4 =	vsel vm0, $0x40, v0  }
0x92: {  	vm0 =	vgt.s32 v8, $0x1869F;
	v9 =	vsel vm1, $0xFFFE7960, v0;
	v11 =	vsel vm1, $0x40, v0;
	v12 =	vld [tilespmem:s17+$0x60];
	[tilespmem:s20+$0xE0] =	vst v4  }
0x93: {  	vm1 =	vgt.s32 v10, $0x1869F;
	v4 =	vsel vm0, $0xFFFE7960, v0;
	v5 =	vadd.s32 v5, v9;
	v9 =	vld [tilespmem:s17+$0xF0];
	[tilespmem:s18+$0x70] =	vst v2;
	s18 =	smov.u32 s20  }
0x94: {  	v2 =	vsel vm1, $0xFFFE7960, v0;
	vm2 =	vgt.s32 v3, $0x1869F;
	v4 =	vadd.s32 v8, v4;
	[tilespmem:s17+$0xFFFFFF60] =	vst v5  }
0x95: {  	s21 =	sadd.s32 $0x4, s21;
	s20 =	sadd.s32 $0x200, s20;
	vm3 =	vgt.s32 v7, $0x1869F;
	v5 =	vsel vm2, $0xFFFE7960, v0;
	[tilespmem:s22+$0x80] =	vst v4;
	v4 =	vsel vm0, $0x40, v0  }
0x96: {  	p0 =	slt.u32 s21, $0xC4;
	v2 =	vadd.s32 v10, v2;
	v8 =	vsel vm3, $0xFFFE7960, v0;
	v3 =	vadd.s32 v3, v5;
	[tilespmem:s20+$0x80] =	vst v4  }
0x97: {  	v5 =	vsel vm3, $0x40, v0;
	v4 =	vadd.s32 v7, v8;
	[tilespmem:s22+$0xFFFFFF80] =	vst v2;
	v2 =	vsel vm1, $0x40, v0;
	v7 =	vld [tilespmem:s22+$0x90]  }
0x98: {  	vm0 =	vgt.s32 v6, $0x1869F;
	[tilespmem:s22+$0xFFFFFF00] =	vst v4;
	v4 =	vsel vm2, $0x40, v0;
	vm1 =	vgt.s32 v9, $0x1869F  }
0x99: {  	vm2 =	vgt.s32 v12, $0x1869F;
	[tilespmem:s20+$0xFFFFFF00] =	vst v5;
	v5 =	vsel vm0, $0xFFFE7960, v0;
	v8 =	vsel vm1, $0xFFFE7960, v0  }
0x9a: {  	v10 =	vld [tilespmem:s22+$0xFFFFFF10];
	[tilespmem:s20+$0xFFFFFF80] =	vst v2;
	v2 =	vadd.s32 v6, v5;
	v5 =	vsel vm2, $0xFFFE7960, v0;
	v6 =	vadd.s32 v9, v8  }
0x9b: {  	v9 =	vsel vm0, $0x40, v0;
	v8 =	vld [tilespmem:s22+$0xFFFFFF90];
	v5 =	vadd.s32 v12, v5;
	[tilespmem:s17+$0xF0] =	vst v6;
	v6 =	vsel vm1, $0x40, v0  }
0x9c: {  	v12 =	vsel vm2, $0x40, v0;
	vm0 =	vgt.s32 v7, $0x1869F;
	[tilespmem:s18+$0xF0] =	vst v6  }
0x9d: {  	[tilespmem:s22+$0x0] =	vst v3;
	v3 =	vsel vm0, $0xFFFE7960, v0  }
0x9e: {  	[tilespmem:s20+$0x0] =	vst v4;
	v3 =	vadd.s32 v7, v3  }
0x9f: {  	vm1 =	vgt.s32 v10, $0x1869F;
	v4 =	vld [tilespmem:s22+$0x10];
	[tilespmem:s22+$0x90] =	vst v3;
	v3 =	vsel vm0, $0x40, v0  }
0xa0: {  	v6 =	vsel vm1, $0xFFFE7960, v0;
	v7 =	vsel vm1, $0x40, v0;
	vm0 =	vgt.s32 v8, $0x1869F;
	[tilespmem:s20+$0x90] =	vst v3  }
0xa1: {  	v3 =	vadd.s32 v10, v6;
	v6 =	vsel vm0, $0xFFFE7960, v0;
	v10 =	vsel vm0, $0x40, v0;
	v13 =	vld [tilespmem:s22+$0xA0];
	[tilespmem:s18+$0xFFFFFF60] =	vst v11  }
0xa2: {  	[tilespmem:s22+$0xFFFFFF10] =	vst v3;
	v3 =	vadd.s32 v8, v6;
	v6 =	vld [tilespmem:s17+$0xFFFFFF70]  }
0xa3: {  	[tilespmem:s20+$0xFFFFFF10] =	vst v7  }
0xa4: {  	v7 =	vld [tilespmem:s22+$0xFFFFFF20];
	[tilespmem:s22+$0xFFFFFF90] =	vst v3;
	vm0 =	vgt.s32 v4, $0x1869F  }
0xa5: {  	[tilespmem:s20+$0xFFFFFF90] =	vst v10;
	v3 =	vsel vm0, $0xFFFE7960, v0;
	v8 =	vsel vm0, $0x40, v0  }
0xa6: {  	v10 =	vld [tilespmem:s22+$0xFFFFFFA0];
	v3 =	vadd.s32 v4, v3;
	vm0 =	vgt.s32 v13, $0x1869F;
	[tilespmem:s17+$0xFFFFFFE0] =	vst v2  }
0xa7: {  	[tilespmem:s22+$0x10] =	vst v3;
	v2 =	vsel vm0, $0xFFFE7960, v0;
	vm1 =	vgt.s32 v6, $0x1869F  }
0xa8: {  	[tilespmem:s20+$0x10] =	vst v8;
	v2 =	vadd.s32 v13, v2;
	v3 =	vsel vm1, $0xFFFE7960, v0;
	v4 =	vsel vm1, $0x40, v0  }
0xa9: {  	vm1 =	vgt.s32 v7, $0x1869F;
	v8 =	vld [tilespmem:s22+$0x20];
	[tilespmem:s22+$0xA0] =	vst v2;
	v2 =	vsel vm0, $0x40, v0;
	v3 =	vadd.s32 v6, v3  }
0xaa: {  	v6 =	vsel vm1, $0xFFFE7960, v0;
	v11 =	vsel vm1, $0x40, v0;
	[tilespmem:s20+$0xA0] =	vst v2  }
0xab: {  	v2 =	vadd.s32 v7, v6;
	vm0 =	vgt.s32 v10, $0x1869F;
	v6 =	vld [tilespmem:s22+$0xB0];
	[tilespmem:s18+$0xFFFFFFE0] =	vst v9  }
0xac: {  	[tilespmem:s22+$0xFFFFFF20] =	vst v2;
	v2 =	vsel vm0, $0xFFFE7960, v0;
	v7 =	vsel vm0, $0x40, v0;
	v9 =	vld [tilespmem:s17+$0xFFFFFFF0]  }
0xad: {  	[tilespmem:s20+$0xFFFFFF20] =	vst v11;
	v2 =	vadd.s32 v10, v2  }
0xae: {  	v10 =	vld [tilespmem:s22+$0xFFFFFF30];
	[tilespmem:s22+$0xFFFFFFA0] =	vst v2;
	vm0 =	vgt.s32 v8, $0x1869F  }
0xaf: {  	[tilespmem:s20+$0xFFFFFFA0] =	vst v7;
	v2 =	vsel vm0, $0xFFFE7960, v0;
	v7 =	vsel vm0, $0x40, v0  }
0xb0: {  	v11 =	vld [tilespmem:s22+$0xFFFFFFB0];
	v2 =	vadd.s32 v8, v2;
	vm0 =	vgt.s32 v6, $0x1869F;
	[tilespmem:s17+$0x60] =	vst v5  }
0xb1: {  	[tilespmem:s22+$0x20] =	vst v2;
	v2 =	vsel vm0, $0xFFFE7960, v0;
	vm1 =	vgt.s32 v9, $0x1869F  }
0xb2: {  	[tilespmem:s20+$0x20] =	vst v7;
	v2 =	vadd.s32 v6, v2;
	v5 =	vsel vm1, $0xFFFE7960, v0;
	v7 =	vsel vm1, $0x40, v0  }
0xb3: {  	vm1 =	vgt.s32 v10, $0x1869F;
	v6 =	vld [tilespmem:s22+$0x30];
	[tilespmem:s22+$0xB0] =	vst v2;
	v2 =	vsel vm0, $0x40, v0;
	v5 =	vadd.s32 v9, v5  }
0xb4: {  	v8 =	vsel vm1, $0xFFFE7960, v0;
	v9 =	vsel vm1, $0x40, v0;
	[tilespmem:s20+$0xB0] =	vst v2  }
0xb5: {  	v2 =	vadd.s32 v10, v8;
	vm0 =	vgt.s32 v11, $0x1869F;
	v8 =	vld [tilespmem:s22+$0xC0];
	[tilespmem:s18+$0x60] =	vst v12  }
0xb6: {  	[tilespmem:s22+$0xFFFFFF30] =	vst v2;
	v2 =	vsel vm0, $0xFFFE7960, v0;
	v10 =	vsel vm0, $0x40, v0;
	v12 =	vld [tilespmem:s17+$0x70]  }
0xb7: {  	[tilespmem:s20+$0xFFFFFF30] =	vst v9;
	v2 =	vadd.s32 v11, v2  }
0xb8: {  	v9 =	vld [tilespmem:s22+$0xFFFFFF40];
	[tilespmem:s22+$0xFFFFFFB0] =	vst v2;
	vm0 =	vgt.s32 v6, $0x1869F  }
0xb9: {  	[tilespmem:s20+$0xFFFFFFB0] =	vst v10;
	v2 =	vsel vm0, $0xFFFE7960, v0;
	v10 =	vsel vm0, $0x40, v0  }
0xba: {  	v11 =	vld [tilespmem:s22+$0xFFFFFFC0];
	v2 =	vadd.s32 v6, v2;
	vm0 =	vgt.s32 v8, $0x1869F;
	[tilespmem:s17+$0xFFFFFF70] =	vst v3  }
0xbb: {  	[tilespmem:s22+$0x30] =	vst v2;
	v2 =	vsel vm0, $0xFFFE7960, v0;
	vm1 =	vgt.s32 v12, $0x1869F  }
0xbc: {  	[tilespmem:s20+$0x30] =	vst v10;
	v3 =	vadd.s32 v8, v2;
	v6 =	vsel vm1, $0xFFFE7960, v0;
	v2 =	vsel vm1, $0x40, v0  }
0xbd: {  	v10 =	vsel vm0, $0x40, v0;
	vm1 =	vgt.s32 v9, $0x1869F;
	v8 =	vld [tilespmem:s22+$0x40];
	[tilespmem:s22+$0xC0] =	vst v3;
	v3 =	vadd.s32 v12, v6  }
0xbe: {  	v6 =	vsel vm1, $0xFFFE7960, v0;
	v12 =	vsel vm1, $0x40, v0;
	[tilespmem:s20+$0xC0] =	vst v10  }
0xbf: {  	v6 =	vadd.s32 v9, v6;
	vm0 =	vgt.s32 v11, $0x1869F;
	v9 =	vld [tilespmem:s22+$0xD0];
	[tilespmem:s18+$0xFFFFFF70] =	vst v4  }
0xc0: {  	[tilespmem:s22+$0xFFFFFF40] =	vst v6;
	v4 =	vsel vm0, $0xFFFE7960, v0;
	v6 =	vsel vm0, $0x40, v0  }
0xc1: {  	[tilespmem:s20+$0xFFFFFF40] =	vst v12;
	v4 =	vadd.s32 v11, v4  }
0xc2: {  	v10 =	vld [tilespmem:s22+$0xFFFFFF50];
	[tilespmem:s22+$0xFFFFFFC0] =	vst v4;
	vm0 =	vgt.s32 v8, $0x1869F  }
0xc3: {  	[tilespmem:s20+$0xFFFFFFC0] =	vst v6;
	v4 =	vsel vm0, $0xFFFE7960, v0;
	v6 =	vsel vm0, $0x40, v0  }
0xc4: {  	v11 =	vld [tilespmem:s22+$0xFFFFFFD0];
	v4 =	vadd.s32 v8, v4;
	vm0 =	vgt.s32 v9, $0x1869F;
	[tilespmem:s17+$0xFFFFFFF0] =	vst v5  }
0xc5: {  	[tilespmem:s22+$0x40] =	vst v4;
	v4 =	vsel vm0, $0xFFFE7960, v0  }
0xc6: {  	[tilespmem:s20+$0x40] =	vst v6;
	v5 =	vadd.s32 v9, v4  }
0xc7: {  	vm1 =	vgt.s32 v10, $0x1869F;
	v4 =	vld [tilespmem:s22+$0x50];
	[tilespmem:s22+$0xD0] =	vst v5;
	v5 =	vsel vm0, $0x40, v0  }
.Ltmp0:
0xc8: {  	v6 =	vsel vm1, $0xFFFE7960, v0;
	v8 =	vsel vm1, $0x40, v0;
	[tilespmem:s20+$0xD0] =	vst v5;
	(pc) =	sbr.rel @p0 .LBB2_2-.Ltmp0, $4  }
0xc9: {  	v5 =	vadd.s32 v10, v6;
	vm0 =	vgt.s32 v11, $0x1869F;
	v6 =	vld [tilespmem:s22+$0xE0];
	[tilespmem:s18+$0xFFFFFFF0] =	vst v7  }
0xca: {  	[tilespmem:s22+$0xFFFFFF50] =	vst v5;
	v5 =	vsel vm0, $0xFFFE7960, v0;
	v7 =	vsel vm0, $0x40, v0  }
0xcb: {  	[tilespmem:s20+$0xFFFFFF50] =	vst v8;
	v8 =	vadd.s32 v11, v5  }
0xcc: {  	s22 =	sadd.s32 $0x200, s22;
	v5 =	vld [tilespmem:s19+$0xFFFFFF60];
	[tilespmem:s19+$0xFFFFFFD0] =	vst v8;
	vm0 =	vgt.s32 v4, $0x1869F  }
0xcd: {  	v8 =	vsel vm0, $0xFFFE7960, v0  }
0xce: {  	[tilespmem:s20+$0xFFFFFFD0] =	vst v7;
	v4 =	vadd.s32 v4, v8  }
0xcf: {  	v45 =	vsel vm0, $0x40, v0;
	v46 =	vld [tilespmem:s19+$0xFFFFFFE0];
	[tilespmem:s19+$0x50] =	vst v4  }
0xd0: {  	vm9 =	vgt.s32 v6, $0x1869F;
	[tilespmem:s20+$0x50] =	vst v45  }
0xd1: {  	v47 =	vsel vm9, $0xFFFE7960, v0;
	v48 =	vld [tilespmem:s19+$0x60]  }
0xd2: {  	v49 =	vadd.s32 v6, v47;
	vm1 =	vgt.s32 v5, $0x1869F  }
0xd3: {  	v50 =	vsel vm9, $0x40, v0;
	[tilespmem:s19+$0xE0] =	vst v49;
	v51 =	vsel vm1, $0xFFFE7960, v0  }
0xd4: {  	[tilespmem:s20+$0xE0] =	vst v50;
	v52 =	vadd.s32 v5, v51;
	vm10 =	vgt.s32 v46, $0x1869F  }
0xd5: {  	v53 =	vsel vm1, $0x40, v0;
	v54 =	vld [tilespmem:s19+$0xF0];
	[tilespmem:s19+$0xFFFFFF60] =	vst v52;
	v55 =	vsel vm10, $0xFFFE7960, v0  }
0xd6: {  	v4 =	vadd.s32 v46, v55;
	[tilespmem:s20+$0xFFFFFF60] =	vst v53;
	vm11 =	vgt.s32 v48, $0x1869F  }
0xd7: {  	v57 =	vsel vm10, $0x40, v0;
	[tilespmem:s19+$0xFFFFFFE0] =	vst v4;
	v58 =	vld [tilespmem:s19+$0xFFFFFF70];
	v56 =	vsel vm11, $0xFFFE7960, v0  }
0xd8: {  	[tilespmem:s20+$0xFFFFFFE0] =	vst v57;
	v5 =	vadd.s32 v48, v56  }
0xd9: {  	v59 =	vsel vm11, $0x40, v0;
	v60 =	vld [tilespmem:s19+$0xFFFFFFF0];
	[tilespmem:s19+$0x60] =	vst v5  }
0xda: {  	vm12 =	vgt.s32 v54, $0x1869F;
	[tilespmem:s20+$0x60] =	vst v59  }
0xdb: {  	[tilespmem:s17+$0x70] =	vst v3;
	v3 =	vsel vm12, $0xFFFE7960, v0;
	v61 =	vld [tilespmem:s19+$0x70]  }
0xdc: {  	[tilespmem:s18+$0x70] =	vst v2;
	v2 =	vadd.s32 v54, v3;
	vm13 =	vgt.s32 v58, $0x1869F  }
0xdd: {  	[tilespmem:s19+$0xF0] =	vst v2;
	v2 =	vsel vm12, $0x40, v0;
	v3 =	vsel vm13, $0xFFFE7960, v0  }
0xde: {  	[tilespmem:s20+$0xF0] =	vst v2;
	v2 =	vadd.s32 v58, v3;
	vm14 =	vgt.s32 v60, $0x1869F  }
0xdf: {  	v3 =	vsel vm13, $0x40, v0;
	v62 =	vsel vm14, $0xFFFE7960, v0;
	[tilespmem:s19+$0xFFFFFF70] =	vst v2  }
0xe0: {  	v2 =	vadd.s32 v60, v62;
	[tilespmem:s20+$0xFFFFFF70] =	vst v3;
	vm15 =	vgt.s32 v61, $0x1869F  }
0xe1: {  	v3 =	vsel vm14, $0x40, v0;
	[tilespmem:s19+$0xFFFFFFF0] =	vst v2;
	v63 =	vsel vm15, $0xFFFE7960, v0  }
0xe2: {  	[tilespmem:s20+$0xFFFFFFF0] =	vst v3;
	v2 =	vadd.s32 v61, v63  }
0xe3: {  	v3 =	vsel vm15, $0x40, v0;
	[tilespmem:s19+$0x70] =	vst v2  }
0xe4: {  	s17 =	simm.s32 $0x0;
	[tilespmem:s20+$0x70] =	vst v3  }
0xe5: {  	[tilespmem:s12], [sflag:$0x1] =	stream.indirect.gather [hbm4b:s5+s11], $0x80, s17, s11, $0xb8;
	[tilespmem:$0x1C800] =	vst v63  }
0xe6: {  	p0 =	por $0x0, $0x0;
	s18 =	simm.s32 $0x0  }
0xe7: {  	[tilespmem:s13], [sflag:$0x1] =	stream.indirect.gather [hbm4b:s5+s11], $0x80, s11, s11, $0xb8;
	[tilespmem:$0x1C800] =	vst v63  }
.LBB2_4:
0xe8: {  	p1 =	sgt.u32 s18, $0xC5  }
0xe9: {  	s19 =	sadd.s32 @!p1 $0x2, s18  }
0xea: {  	s20 =	smul.u32 @!p1 $0xAB, s19;
	_ =	sdelay $0x1  }
0xeb: {  	s20 =	sshrl.u32 @!p1 s20, $0x9  }
0xec: {  	s20 =	sand.u32 @!p1 $0x7F, s20  }
0xed: {  	s20 =	smul.u32 @!p1 $0x3, s20;
	_ =	sdelay $0x1  }
0xee: {  	s20 =	ssub.s32 @!p1 s19, s20  }
0xef: {  	s20 =	sand.u32 @!p1 $0xFF, s20  }
0xf0: {  	s19 =	sshll.u32 @!p1 s19, $0x7;
	s20 =	sshll.u32 @!p1 s20, $0xE  }
0xf1: {  	s21 =	simm.s32 @!p1 $0x80;
	s19 =	sand.u32 @!p1 $0x3FFFFF80, s19;
	s20 =	sadd.s32 @!p1 $0xC800, s20  }
0xf2: {  	[tilespmem:s20], [sflag:$0x1] =	stream.indirect.gather @!p1 [hbm4b:s5+s21], $0x80, s19, s21, $0xb8;
	[tilespmem:$0x1C800] =	vst v63  }
0xf3: {  	_ =	swait.ge [sflag:s14], $0x4000  }
0xf4: {  	s23 =	smul.u32 $0xAB, s18;
	p1 =	slt.u32 s18, $0x2;
	[sflag:s14] =	ssyncset.done $0x0  }
0xf5: {  	s20 =	simm.s32 @!p1 $0x2;
	[sflag:s14] =	ssyncadd.s32 $0xFFFFC000  }
0xf6: {  	s19 =	sshrl.u32 s23, $0x9;
	_ =	swait.ge @!p1 [sflag:s20], $0x2000  }
0xf7: {  	s24 =	sshll.u32 s18, $0x7;
	s19 =	sand.u32 $0x7F, s19;
	[sflag:s20] =	ssyncset.done @!p1 $0x0  }
0xf8: {  	s21 =	sand.u32 $0x3FFFFF80, s24;
	s19 =	smul.u32 $0x3, s19;
	[sflag:s20] =	ssyncadd.s32 @!p1 $0xFFFFE000  }
0xf9: {  	v2 =	vld [tilespmem:s21+$0x6400]  }
0xfa: {  	s19 =	ssub.s32 s18, s19  }
0xfb: {  	s19 =	sand.u32 $0xFF, s19  }
0xfc: {  	s22 =	sshll.u32 s19, $0x7  }
0xfd: {  	s25 =	simm.s32 $0x1;
	v3 =	vmov s22  }
0xfe: {  	v3 =	vshll.u32 v3, $0x7;
	v4 =	vadd.s32 s25, v2  }
0xff: {  	v3 =	vor.u32 v1, v3;
	v5 =	vadd.s32 s17, v2;
	v6 =	vand.u32 $0xFFFFFF80, v4  }
0x100: {  	v7 =	vand.u32 $0xFFFFFF80, v5;
	v4 =	vand.u32 $0x7F, v4;
	v6 =	vadd.s32 v3, v6  }
0x101: {  	v5 =	vand.u32 $0x7F, v5;
	v7 =	vadd.s32 v3, v7;
	v4 =	vor.u32 v4, v6  }
0x102: {  	s26 =	simm.s32 $0x3;
	v5 =	vor.u32 v5, v7  }
0x103: {  	s0 =	simm.s32 $0x2;
	v6 =	vadd.s32 s26, v2  }
0x104: {  	v7 =	vadd.s32 s0, v2;
	v8 =	vand.u32 $0xFFFFFF80, v6  }
0x105: {  	v9 =	vand.u32 $0xFFFFFF80, v7;
	v6 =	vand.u32 $0x7F, v6;
	v8 =	vadd.s32 v3, v8  }
0x106: {  	v6 =	vor.u32 v6, v8;
	v10 =	vld.idx.msk [tilespmem:v4+s12+$0x0], $0xffff;
	v4 =	vand.u32 $0x7F, v7;
	v7 =	vadd.s32 v3, v9  }
0x107: {  	s19 =	simm.s32 $0x1;
	v8 =	vld.idx.msk [tilespmem:v5+s12+$0x0], $0xffff;
	v5 =	vor.u32 v4, v7  }
0x108: {  	s23 =	simm.s32 $0x4;
	s24 =	simm.s32 $0x5;
	s19 =	simm.s32 @!p0 $0x0  }
0x109: {  	s31 =	simm.s32 $0x6;
	s1 =	sshll.u32 s19, $0xD;
	v4 =	vadd.s32 s24, v2;
	v7 =	vadd.s32 s23, v2  }
0x10a: {  	s20 =	sand.u32 $0x1, s18;
	s19 =	sor.u32 $0x188F0, s1;
	s30 =	sor.u32 $0x18880, s1;
	v62 =	vand.u32 $0xFFFFFF80, v4;
	v11 =	vand.u32 $0xFFFFFF80, v7;
	v12 =	vand.u32 $0x7F, v4  }
0x10b: {  	s28 =	sor.u32 $0x188A0, s1;
	s29 =	sor.u32 $0x18890, s1;
	s25 =	sor.u32 $0x188C0, s1;
	v7 =	vand.u32 $0x7F, v7;
	v9 =	vadd.s32 v3, v62;
	v4 =	vld.idx.msk [tilespmem:v6+s12+$0x0], $0xffff;
	v63 =	vadd.s32 v3, v11;
	[tilespmem:s30+$0x0] =	vst v10  }
0x10c: {  	s26 =	sor.u32 $0x188B0, s1;
	s23 =	sor.u32 $0x188E0, s1;
	s24 =	sor.u32 $0x188D0, s1;
	v6 =	vor.u32 v12, v9;
	v7 =	vor.u32 v7, v63;
	[tilespmem:s30+$0xFFFFFF80] =	vst v8;
	v5 =	vld.idx.msk [tilespmem:v5+s12+$0x0], $0xffff  }
.LBB2_5:
0x10d: {  	s0 =	sadd.s32 $0x1, s31  }
0x10e: {  	p1 =	slt.u32 s31, $0x3E;
	s1 =	smov.u32 s31;
	s31 =	sadd.s32 $0x2, s31  }
.Ltmp1:
0x10f: {  	v8 =	vadd.s32 s0, v2;
	(pc) =	sbr.rel @p1 .LBB2_5-.Ltmp1, $4  }
0x110: {  	s30 =	sadd.s32 $0x100, s30;
	v9 =	vadd.s32 s1, v2;
	v10 =	vand.u32 $0xFFFFFF80, v8  }
0x111: {  	v11 =	vand.u32 $0xFFFFFF80, v9;
	v8 =	vand.u32 $0x7F, v8;
	v10 =	vadd.s32 v3, v10;
	[tilespmem:s30+$0x0] =	vst v4;
	v4 =	vld.idx.msk [tilespmem:v6+s12+$0x0], $0xffff  }
0x112: {  	v9 =	vand.u32 $0x7F, v9;
	v11 =	vadd.s32 v3, v11;
	v6 =	vor.u32 v8, v10;
	[tilespmem:s30+$0xFFFFFF80] =	vst v5;
	v5 =	vld.idx.msk [tilespmem:v7+s12+$0x0], $0xffff  }
0x113: {  	v7 =	vor.u32 v9, v11  }
0x114: {  	_ =	sdelay $0x3  }
0x115: {  	v2 =	vld.idx.msk [tilespmem:v6+s12+$0x0], $0xffff  }
0x116: {  	v3 =	vld.idx.msk [tilespmem:v7+s12+$0x0], $0xffff  }
0x117: {  	s0 =	sadd.s32 $0x100, s30  }
0x118: {  	[tilespmem:s0+$0x0] =	vst v4  }
0x119: {  	[tilespmem:s0+$0xFFFFFF80] =	vst v5;
	s0 =	sadd.s32 $0x100, s0  }
0x11a: {  	[tilespmem:s0+$0x0] =	vst v2  }
0x11b: {  	[tilespmem:s0+$0xFFFFFF80] =	vst v3  }
0x11c: {  	v2 =	vld [tilespmem:s21+$0x6410];
	_ =	sdelay $0x2  }
0x11d: {  	s1 =	sor.u32 $0x10, s22  }
0x11e: {  	s31 =	simm.s32 $0x1;
	v3 =	vmov s1  }
0x11f: {  	s1 =	simm.s32 $0x0;
	v3 =	vshll.u32 v3, $0x7;
	v4 =	vadd.s32 s31, v2  }
0x120: {  	v3 =	vor.u32 v1, v3;
	v5 =	vadd.s32 s1, v2;
	v6 =	vand.u32 $0xFFFFFF80, v4  }
0x121: {  	v7 =	vand.u32 $0xFFFFFF80, v5;
	v4 =	vand.u32 $0x7F, v4;
	v6 =	vadd.s32 v3, v6  }
0x122: {  	v5 =	vand.u32 $0x7F, v5;
	v7 =	vadd.s32 v3, v7;
	v4 =	vor.u32 v4, v6  }
0x123: {  	s1 =	simm.s32 $0x3;
	v5 =	vor.u32 v5, v7  }
0x124: {  	s31 =	simm.s32 $0x2;
	v6 =	vadd.s32 s1, v2  }
0x125: {  	v7 =	vadd.s32 s31, v2;
	v8 =	vand.u32 $0xFFFFFF80, v6  }
0x126: {  	v9 =	vand.u32 $0xFFFFFF80, v7;
	v6 =	vand.u32 $0x7F, v6;
	v8 =	vadd.s32 v3, v8  }
0x127: {  	v6 =	vor.u32 v6, v8;
	v10 =	vld.idx.msk [tilespmem:v4+s12+$0x0], $0xffff;
	v4 =	vand.u32 $0x7F, v7;
	v7 =	vadd.s32 v3, v9  }
0x128: {  	v8 =	vld.idx.msk [tilespmem:v5+s12+$0x0], $0xffff;
	v5 =	vor.u32 v4, v7  }
0x129: {  	s0 =	simm.s32 $0x4;
	s31 =	simm.s32 $0x5  }
0x12a: {  	v4 =	vadd.s32 s31, v2;
	v7 =	vadd.s32 s0, v2  }
0x12b: {  	v62 =	vand.u32 $0xFFFFFF80, v4;
	v11 =	vand.u32 $0xFFFFFF80, v7;
	v12 =	vand.u32 $0x7F, v4  }
0x12c: {  	v7 =	vand.u32 $0x7F, v7;
	v9 =	vadd.s32 v3, v62;
	v4 =	vld.idx.msk [tilespmem:v6+s12+$0x0], $0xffff;
	v63 =	vadd.s32 v3, v11;
	[tilespmem:s29+$0x0] =	vst v10  }
0x12d: {  	s30 =	simm.s32 $0x6;
	v6 =	vor.u32 v12, v9;
	v7 =	vor.u32 v7, v63;
	[tilespmem:s29+$0xFFFFFF80] =	vst v8;
	v5 =	vld.idx.msk [tilespmem:v5+s12+$0x0], $0xffff  }
.LBB2_7:
0x12e: {  	s0 =	sadd.s32 $0x1, s30  }
0x12f: {  	p1 =	slt.u32 s30, $0x3E;
	s1 =	smov.u32 s30;
	s30 =	sadd.s32 $0x2, s30  }
.Ltmp2:
0x130: {  	v8 =	vadd.s32 s0, v2;
	(pc) =	sbr.rel @p1 .LBB2_7-.Ltmp2, $4  }
0x131: {  	s29 =	sadd.s32 $0x100, s29;
	v9 =	vadd.s32 s1, v2;
	v10 =	vand.u32 $0xFFFFFF80, v8  }
0x132: {  	v11 =	vand.u32 $0xFFFFFF80, v9;
	v8 =	vand.u32 $0x7F, v8;
	v10 =	vadd.s32 v3, v10;
	[tilespmem:s29+$0x0] =	vst v4;
	v4 =	vld.idx.msk [tilespmem:v6+s12+$0x0], $0xffff  }
0x133: {  	v9 =	vand.u32 $0x7F, v9;
	v11 =	vadd.s32 v3, v11;
	v6 =	vor.u32 v8, v10;
	[tilespmem:s29+$0xFFFFFF80] =	vst v5;
	v5 =	vld.idx.msk [tilespmem:v7+s12+$0x0], $0xffff  }
0x134: {  	v7 =	vor.u32 v9, v11  }
0x135: {  	_ =	sdelay $0x3  }
0x136: {  	v2 =	vld.idx.msk [tilespmem:v6+s12+$0x0], $0xffff  }
0x137: {  	v3 =	vld.idx.msk [tilespmem:v7+s12+$0x0], $0xffff  }
0x138: {  	s0 =	sadd.s32 $0x100, s29  }
0x139: {  	[tilespmem:s0+$0x0] =	vst v4  }
0x13a: {  	[tilespmem:s0+$0xFFFFFF80] =	vst v5;
	s0 =	sadd.s32 $0x100, s0  }
0x13b: {  	[tilespmem:s0+$0x0] =	vst v2  }
0x13c: {  	[tilespmem:s0+$0xFFFFFF80] =	vst v3  }
0x13d: {  	v2 =	vld [tilespmem:s21+$0x6420];
	_ =	sdelay $0x2  }
0x13e: {  	s30 =	sor.u32 $0x20, s22  }
0x13f: {  	s31 =	simm.s32 $0x1;
	v3 =	vmov s30  }
0x140: {  	s1 =	simm.s32 $0x0;
	v3 =	vshll.u32 v3, $0x7;
	v4 =	vadd.s32 s31, v2  }
0x141: {  	v3 =	vor.u32 v1, v3;
	v5 =	vadd.s32 s1, v2;
	v6 =	vand.u32 $0xFFFFFF80, v4  }
0x142: {  	v7 =	vand.u32 $0xFFFFFF80, v5;
	v4 =	vand.u32 $0x7F, v4;
	v6 =	vadd.s32 v3, v6  }
0x143: {  	v5 =	vand.u32 $0x7F, v5;
	v7 =	vadd.s32 v3, v7;
	v4 =	vor.u32 v4, v6  }
0x144: {  	s30 =	simm.s32 $0x3;
	v5 =	vor.u32 v5, v7  }
0x145: {  	s31 =	simm.s32 $0x2;
	v6 =	vadd.s32 s30, v2  }
0x146: {  	v7 =	vadd.s32 s31, v2;
	v8 =	vand.u32 $0xFFFFFF80, v6  }
0x147: {  	v9 =	vand.u32 $0xFFFFFF80, v7;
	v6 =	vand.u32 $0x7F, v6;
	v8 =	vadd.s32 v3, v8  }
0x148: {  	v6 =	vor.u32 v6, v8;
	v10 =	vld.idx.msk [tilespmem:v4+s12+$0x0], $0xffff;
	v4 =	vand.u32 $0x7F, v7;
	v7 =	vadd.s32 v3, v9  }
0x149: {  	v8 =	vld.idx.msk [tilespmem:v5+s12+$0x0], $0xffff;
	v5 =	vor.u32 v4, v7  }
0x14a: {  	s30 =	simm.s32 $0x4;
	s31 =	simm.s32 $0x5  }
0x14b: {  	v4 =	vadd.s32 s31, v2;
	v7 =	vadd.s32 s30, v2  }
0x14c: {  	v62 =	vand.u32 $0xFFFFFF80, v4;
	v11 =	vand.u32 $0xFFFFFF80, v7;
	v12 =	vand.u32 $0x7F, v4  }
0x14d: {  	v7 =	vand.u32 $0x7F, v7;
	v9 =	vadd.s32 v3, v62;
	v4 =	vld.idx.msk [tilespmem:v6+s12+$0x0], $0xffff;
	v63 =	vadd.s32 v3, v11;
	[tilespmem:s28+$0x0] =	vst v10  }
0x14e: {  	s29 =	simm.s32 $0x6;
	v6 =	vor.u32 v12, v9;
	v7 =	vor.u32 v7, v63;
	[tilespmem:s28+$0xFFFFFF80] =	vst v8;
	v5 =	vld.idx.msk [tilespmem:v5+s12+$0x0], $0xffff  }
.LBB2_9:
0x14f: {  	s0 =	sadd.s32 $0x1, s29  }
0x150: {  	p1 =	slt.u32 s29, $0x3E;
	s1 =	smov.u32 s29;
	s29 =	sadd.s32 $0x2, s29  }
.Ltmp3:
0x151: {  	v8 =	vadd.s32 s0, v2;
	(pc) =	sbr.rel @p1 .LBB2_9-.Ltmp3, $4  }
0x152: {  	s28 =	sadd.s32 $0x100, s28;
	v9 =	vadd.s32 s1, v2;
	v10 =	vand.u32 $0xFFFFFF80, v8  }
0x153: {  	v11 =	vand.u32 $0xFFFFFF80, v9;
	v8 =	vand.u32 $0x7F, v8;
	v10 =	vadd.s32 v3, v10;
	[tilespmem:s28+$0x0] =	vst v4;
	v4 =	vld.idx.msk [tilespmem:v6+s12+$0x0], $0xffff  }
0x154: {  	v9 =	vand.u32 $0x7F, v9;
	v11 =	vadd.s32 v3, v11;
	v6 =	vor.u32 v8, v10;
	[tilespmem:s28+$0xFFFFFF80] =	vst v5;
	v5 =	vld.idx.msk [tilespmem:v7+s12+$0x0], $0xffff  }
0x155: {  	v7 =	vor.u32 v9, v11  }
0x156: {  	_ =	sdelay $0x3  }
0x157: {  	v2 =	vld.idx.msk [tilespmem:v6+s12+$0x0], $0xffff  }
0x158: {  	v3 =	vld.idx.msk [tilespmem:v7+s12+$0x0], $0xffff  }
0x159: {  	s0 =	sadd.s32 $0x100, s28  }
0x15a: {  	[tilespmem:s0+$0x0] =	vst v4  }
0x15b: {  	[tilespmem:s0+$0xFFFFFF80] =	vst v5;
	s0 =	sadd.s32 $0x100, s0  }
0x15c: {  	[tilespmem:s0+$0x0] =	vst v2  }
0x15d: {  	[tilespmem:s0+$0xFFFFFF80] =	vst v3  }
0x15e: {  	v2 =	vld [tilespmem:s21+$0x6430];
	_ =	sdelay $0x2  }
0x15f: {  	s30 =	sor.u32 $0x30, s22  }
0x160: {  	s31 =	simm.s32 $0x1;
	v3 =	vmov s30  }
0x161: {  	s1 =	simm.s32 $0x0;
	v3 =	vshll.u32 v3, $0x7;
	v4 =	vadd.s32 s31, v2  }
0x162: {  	v3 =	vor.u32 v1, v3;
	v5 =	vadd.s32 s1, v2;
	v6 =	vand.u32 $0xFFFFFF80, v4  }
0x163: {  	v7 =	vand.u32 $0xFFFFFF80, v5;
	v4 =	vand.u32 $0x7F, v4;
	v6 =	vadd.s32 v3, v6  }
0x164: {  	v5 =	vand.u32 $0x7F, v5;
	v7 =	vadd.s32 v3, v7;
	v4 =	vor.u32 v4, v6  }
0x165: {  	s1 =	simm.s32 $0x3;
	v5 =	vor.u32 v5, v7  }
0x166: {  	s29 =	simm.s32 $0x2;
	v6 =	vadd.s32 s1, v2  }
0x167: {  	v7 =	vadd.s32 s29, v2;
	v8 =	vand.u32 $0xFFFFFF80, v6  }
0x168: {  	v9 =	vand.u32 $0xFFFFFF80, v7;
	v6 =	vand.u32 $0x7F, v6;
	v8 =	vadd.s32 v3, v8  }
0x169: {  	v6 =	vor.u32 v6, v8;
	v10 =	vld.idx.msk [tilespmem:v4+s12+$0x0], $0xffff;
	v4 =	vand.u32 $0x7F, v7;
	v7 =	vadd.s32 v3, v9  }
0x16a: {  	v8 =	vld.idx.msk [tilespmem:v5+s12+$0x0], $0xffff;
	v5 =	vor.u32 v4, v7  }
0x16b: {  	s30 =	simm.s32 $0x4;
	s31 =	simm.s32 $0x5  }
0x16c: {  	v4 =	vadd.s32 s31, v2;
	v7 =	vadd.s32 s30, v2  }
0x16d: {  	v62 =	vand.u32 $0xFFFFFF80, v4;
	v11 =	vand.u32 $0xFFFFFF80, v7;
	v12 =	vand.u32 $0x7F, v4  }
0x16e: {  	v7 =	vand.u32 $0x7F, v7;
	v9 =	vadd.s32 v3, v62;
	v4 =	vld.idx.msk [tilespmem:v6+s12+$0x0], $0xffff;
	v63 =	vadd.s32 v3, v11;
	[tilespmem:s26+$0x0] =	vst v10  }
0x16f: {  	s28 =	simm.s32 $0x6;
	v6 =	vor.u32 v12, v9;
	v7 =	vor.u32 v7, v63;
	[tilespmem:s26+$0xFFFFFF80] =	vst v8;
	v5 =	vld.idx.msk [tilespmem:v5+s12+$0x0], $0xffff  }
.LBB2_11:
0x170: {  	s0 =	sadd.s32 $0x1, s28  }
0x171: {  	p1 =	slt.u32 s28, $0x3E;
	s1 =	smov.u32 s28;
	s28 =	sadd.s32 $0x2, s28  }
.Ltmp4:
0x172: {  	v8 =	vadd.s32 s0, v2;
	(pc) =	sbr.rel @p1 .LBB2_11-.Ltmp4, $4  }
0x173: {  	s26 =	sadd.s32 $0x100, s26;
	v9 =	vadd.s32 s1, v2;
	v10 =	vand.u32 $0xFFFFFF80, v8  }
0x174: {  	v11 =	vand.u32 $0xFFFFFF80, v9;
	v8 =	vand.u32 $0x7F, v8;
	v10 =	vadd.s32 v3, v10;
	[tilespmem:s26+$0x0] =	vst v4;
	v4 =	vld.idx.msk [tilespmem:v6+s12+$0x0], $0xffff  }
0x175: {  	v9 =	vand.u32 $0x7F, v9;
	v11 =	vadd.s32 v3, v11;
	v6 =	vor.u32 v8, v10;
	[tilespmem:s26+$0xFFFFFF80] =	vst v5;
	v5 =	vld.idx.msk [tilespmem:v7+s12+$0x0], $0xffff  }
0x176: {  	v7 =	vor.u32 v9, v11  }
0x177: {  	_ =	sdelay $0x3  }
0x178: {  	v2 =	vld.idx.msk [tilespmem:v6+s12+$0x0], $0xffff  }
0x179: {  	v3 =	vld.idx.msk [tilespmem:v7+s12+$0x0], $0xffff  }
0x17a: {  	s0 =	sadd.s32 $0x100, s26  }
0x17b: {  	[tilespmem:s0+$0x0] =	vst v4  }
0x17c: {  	[tilespmem:s0+$0xFFFFFF80] =	vst v5;
	s0 =	sadd.s32 $0x100, s0  }
0x17d: {  	[tilespmem:s0+$0x0] =	vst v2  }
0x17e: {  	[tilespmem:s0+$0xFFFFFF80] =	vst v3  }
0x17f: {  	v2 =	vld [tilespmem:s21+$0x6440];
	_ =	sdelay $0x2  }
0x180: {  	s1 =	sor.u32 $0x40, s22  }
0x181: {  	s26 =	simm.s32 $0x1;
	v3 =	vmov s1  }
0x182: {  	s1 =	simm.s32 $0x0;
	v3 =	vshll.u32 v3, $0x7;
	v4 =	vadd.s32 s26, v2  }
0x183: {  	v3 =	vor.u32 v1, v3;
	v5 =	vadd.s32 s1, v2;
	v6 =	vand.u32 $0xFFFFFF80, v4  }
0x184: {  	v7 =	vand.u32 $0xFFFFFF80, v5;
	v4 =	vand.u32 $0x7F, v4;
	v6 =	vadd.s32 v3, v6  }
0x185: {  	v5 =	vand.u32 $0x7F, v5;
	v7 =	vadd.s32 v3, v7;
	v4 =	vor.u32 v4, v6  }
0x186: {  	s28 =	simm.s32 $0x3;
	v5 =	vor.u32 v5, v7  }
0x187: {  	s29 =	simm.s32 $0x2;
	v6 =	vadd.s32 s28, v2  }
0x188: {  	v7 =	vadd.s32 s29, v2;
	v8 =	vand.u32 $0xFFFFFF80, v6  }
0x189: {  	v9 =	vand.u32 $0xFFFFFF80, v7;
	v6 =	vand.u32 $0x7F, v6;
	v8 =	vadd.s32 v3, v8  }
0x18a: {  	v6 =	vor.u32 v6, v8;
	v10 =	vld.idx.msk [tilespmem:v4+s12+$0x0], $0xffff;
	v4 =	vand.u32 $0x7F, v7;
	v7 =	vadd.s32 v3, v9  }
0x18b: {  	v8 =	vld.idx.msk [tilespmem:v5+s12+$0x0], $0xffff;
	v5 =	vor.u32 v4, v7  }
0x18c: {  	s30 =	simm.s32 $0x4;
	s31 =	simm.s32 $0x5  }
0x18d: {  	v4 =	vadd.s32 s31, v2;
	v7 =	vadd.s32 s30, v2  }
0x18e: {  	v62 =	vand.u32 $0xFFFFFF80, v4;
	v11 =	vand.u32 $0xFFFFFF80, v7;
	v12 =	vand.u32 $0x7F, v4  }
0x18f: {  	v7 =	vand.u32 $0x7F, v7;
	v9 =	vadd.s32 v3, v62;
	v4 =	vld.idx.msk [tilespmem:v6+s12+$0x0], $0xffff;
	v63 =	vadd.s32 v3, v11;
	[tilespmem:s25+$0x0] =	vst v10  }
0x190: {  	s26 =	simm.s32 $0x6;
	v6 =	vor.u32 v12, v9;
	v7 =	vor.u32 v7, v63;
	[tilespmem:s25+$0xFFFFFF80] =	vst v8;
	v5 =	vld.idx.msk [tilespmem:v5+s12+$0x0], $0xffff  }
.LBB2_13:
0x191: {  	s0 =	sadd.s32 $0x1, s26  }
0x192: {  	p1 =	slt.u32 s26, $0x3E;
	s1 =	smov.u32 s26;
	s26 =	sadd.s32 $0x2, s26  }
.Ltmp5:
0x193: {  	v8 =	vadd.s32 s0, v2;
	(pc) =	sbr.rel @p1 .LBB2_13-.Ltmp5, $4  }
0x194: {  	s25 =	sadd.s32 $0x100, s25;
	v9 =	vadd.s32 s1, v2;
	v10 =	vand.u32 $0xFFFFFF80, v8  }
0x195: {  	v11 =	vand.u32 $0xFFFFFF80, v9;
	v8 =	vand.u32 $0x7F, v8;
	v10 =	vadd.s32 v3, v10;
	[tilespmem:s25+$0x0] =	vst v4;
	v4 =	vld.idx.msk [tilespmem:v6+s12+$0x0], $0xffff  }
0x196: {  	v9 =	vand.u32 $0x7F, v9;
	v11 =	vadd.s32 v3, v11;
	v6 =	vor.u32 v8, v10;
	[tilespmem:s25+$0xFFFFFF80] =	vst v5;
	v5 =	vld.idx.msk [tilespmem:v7+s12+$0x0], $0xffff  }
0x197: {  	v7 =	vor.u32 v9, v11  }
0x198: {  	_ =	sdelay $0x3  }
0x199: {  	v2 =	vld.idx.msk [tilespmem:v6+s12+$0x0], $0xffff  }
0x19a: {  	v3 =	vld.idx.msk [tilespmem:v7+s12+$0x0], $0xffff  }
0x19b: {  	s0 =	sadd.s32 $0x100, s25  }
0x19c: {  	[tilespmem:s0+$0x0] =	vst v4  }
0x19d: {  	[tilespmem:s0+$0xFFFFFF80] =	vst v5;
	s0 =	sadd.s32 $0x100, s0  }
0x19e: {  	[tilespmem:s0+$0x0] =	vst v2  }
0x19f: {  	[tilespmem:s0+$0xFFFFFF80] =	vst v3  }
0x1a0: {  	v2 =	vld [tilespmem:s21+$0x6450];
	_ =	sdelay $0x2  }
0x1a1: {  	s25 =	sor.u32 $0x50, s22  }
0x1a2: {  	s26 =	simm.s32 $0x1;
	v3 =	vmov s25  }
0x1a3: {  	s1 =	simm.s32 $0x0;
	v3 =	vshll.u32 v3, $0x7;
	v4 =	vadd.s32 s26, v2  }
0x1a4: {  	v3 =	vor.u32 v1, v3;
	v5 =	vadd.s32 s1, v2;
	v6 =	vand.u32 $0xFFFFFF80, v4  }
0x1a5: {  	v7 =	vand.u32 $0xFFFFFF80, v5;
	v4 =	vand.u32 $0x7F, v4;
	v6 =	vadd.s32 v3, v6  }
0x1a6: {  	v5 =	vand.u32 $0x7F, v5;
	v7 =	vadd.s32 v3, v7;
	v4 =	vor.u32 v4, v6  }
0x1a7: {  	s28 =	simm.s32 $0x3;
	v5 =	vor.u32 v5, v7  }
0x1a8: {  	s29 =	simm.s32 $0x2;
	v6 =	vadd.s32 s28, v2  }
0x1a9: {  	v7 =	vadd.s32 s29, v2;
	v8 =	vand.u32 $0xFFFFFF80, v6  }
0x1aa: {  	v9 =	vand.u32 $0xFFFFFF80, v7;
	v6 =	vand.u32 $0x7F, v6;
	v8 =	vadd.s32 v3, v8  }
0x1ab: {  	v6 =	vor.u32 v6, v8;
	v10 =	vld.idx.msk [tilespmem:v4+s12+$0x0], $0xffff;
	v4 =	vand.u32 $0x7F, v7;
	v7 =	vadd.s32 v3, v9  }
0x1ac: {  	v8 =	vld.idx.msk [tilespmem:v5+s12+$0x0], $0xffff;
	v5 =	vor.u32 v4, v7  }
0x1ad: {  	s30 =	simm.s32 $0x4;
	s31 =	simm.s32 $0x5  }
0x1ae: {  	v4 =	vadd.s32 s31, v2;
	v7 =	vadd.s32 s30, v2  }
0x1af: {  	v62 =	vand.u32 $0xFFFFFF80, v4;
	v11 =	vand.u32 $0xFFFFFF80, v7;
	v12 =	vand.u32 $0x7F, v4  }
0x1b0: {  	v7 =	vand.u32 $0x7F, v7;
	v9 =	vadd.s32 v3, v62;
	v4 =	vld.idx.msk [tilespmem:v6+s12+$0x0], $0xffff;
	v63 =	vadd.s32 v3, v11;
	[tilespmem:s24+$0x0] =	vst v10  }
0x1b1: {  	s25 =	simm.s32 $0x6;
	v6 =	vor.u32 v12, v9;
	v7 =	vor.u32 v7, v63;
	[tilespmem:s24+$0xFFFFFF80] =	vst v8;
	v5 =	vld.idx.msk [tilespmem:v5+s12+$0x0], $0xffff  }
.LBB2_15:
0x1b2: {  	s0 =	sadd.s32 $0x1, s25  }
0x1b3: {  	p1 =	slt.u32 s25, $0x3E;
	s1 =	smov.u32 s25;
	s25 =	sadd.s32 $0x2, s25  }
.Ltmp6:
0x1b4: {  	v8 =	vadd.s32 s0, v2;
	(pc) =	sbr.rel @p1 .LBB2_15-.Ltmp6, $4  }
0x1b5: {  	s24 =	sadd.s32 $0x100, s24;
	v9 =	vadd.s32 s1, v2;
	v10 =	vand.u32 $0xFFFFFF80, v8  }
0x1b6: {  	v11 =	vand.u32 $0xFFFFFF80, v9;
	v8 =	vand.u32 $0x7F, v8;
	v10 =	vadd.s32 v3, v10;
	[tilespmem:s24+$0x0] =	vst v4;
	v4 =	vld.idx.msk [tilespmem:v6+s12+$0x0], $0xffff  }
0x1b7: {  	v9 =	vand.u32 $0x7F, v9;
	v11 =	vadd.s32 v3, v11;
	v6 =	vor.u32 v8, v10;
	[tilespmem:s24+$0xFFFFFF80] =	vst v5;
	v5 =	vld.idx.msk [tilespmem:v7+s12+$0x0], $0xffff  }
0x1b8: {  	v7 =	vor.u32 v9, v11  }
0x1b9: {  	_ =	sdelay $0x3  }
0x1ba: {  	v2 =	vld.idx.msk [tilespmem:v6+s12+$0x0], $0xffff  }
0x1bb: {  	v3 =	vld.idx.msk [tilespmem:v7+s12+$0x0], $0xffff  }
0x1bc: {  	s0 =	sadd.s32 $0x100, s24  }
0x1bd: {  	[tilespmem:s0+$0x0] =	vst v4  }
0x1be: {  	[tilespmem:s0+$0xFFFFFF80] =	vst v5;
	s0 =	sadd.s32 $0x100, s0  }
0x1bf: {  	[tilespmem:s0+$0x0] =	vst v2  }
0x1c0: {  	[tilespmem:s0+$0xFFFFFF80] =	vst v3  }
0x1c1: {  	v2 =	vld [tilespmem:s21+$0x6460];
	_ =	sdelay $0x2  }
0x1c2: {  	s25 =	sor.u32 $0x60, s22  }
0x1c3: {  	s26 =	simm.s32 $0x1;
	v3 =	vmov s25  }
0x1c4: {  	s1 =	simm.s32 $0x0;
	v3 =	vshll.u32 v3, $0x7;
	v4 =	vadd.s32 s26, v2  }
0x1c5: {  	v3 =	vor.u32 v1, v3;
	v5 =	vadd.s32 s1, v2;
	v6 =	vand.u32 $0xFFFFFF80, v4  }
0x1c6: {  	v7 =	vand.u32 $0xFFFFFF80, v5;
	v4 =	vand.u32 $0x7F, v4;
	v6 =	vadd.s32 v3, v6  }
0x1c7: {  	v5 =	vand.u32 $0x7F, v5;
	v7 =	vadd.s32 v3, v7;
	v4 =	vor.u32 v4, v6  }
0x1c8: {  	s28 =	simm.s32 $0x3;
	v5 =	vor.u32 v5, v7  }
0x1c9: {  	s29 =	simm.s32 $0x2;
	v6 =	vadd.s32 s28, v2  }
0x1ca: {  	v7 =	vadd.s32 s29, v2;
	v8 =	vand.u32 $0xFFFFFF80, v6  }
0x1cb: {  	v9 =	vand.u32 $0xFFFFFF80, v7;
	v6 =	vand.u32 $0x7F, v6;
	v8 =	vadd.s32 v3, v8  }
0x1cc: {  	v6 =	vor.u32 v6, v8;
	v10 =	vld.idx.msk [tilespmem:v4+s12+$0x0], $0xffff;
	v4 =	vand.u32 $0x7F, v7;
	v7 =	vadd.s32 v3, v9  }
0x1cd: {  	v8 =	vld.idx.msk [tilespmem:v5+s12+$0x0], $0xffff;
	v5 =	vor.u32 v4, v7  }
0x1ce: {  	s30 =	simm.s32 $0x4;
	s31 =	simm.s32 $0x5  }
0x1cf: {  	v4 =	vadd.s32 s31, v2;
	v7 =	vadd.s32 s30, v2  }
0x1d0: {  	v62 =	vand.u32 $0xFFFFFF80, v4;
	v11 =	vand.u32 $0xFFFFFF80, v7;
	v12 =	vand.u32 $0x7F, v4  }
0x1d1: {  	v7 =	vand.u32 $0x7F, v7;
	v9 =	vadd.s32 v3, v62;
	v4 =	vld.idx.msk [tilespmem:v6+s12+$0x0], $0xffff;
	v63 =	vadd.s32 v3, v11;
	[tilespmem:s23+$0x0] =	vst v10  }
0x1d2: {  	s24 =	simm.s32 $0x6;
	v6 =	vor.u32 v12, v9;
	v7 =	vor.u32 v7, v63;
	[tilespmem:s23+$0xFFFFFF80] =	vst v8;
	v5 =	vld.idx.msk [tilespmem:v5+s12+$0x0], $0xffff  }
.LBB2_17:
0x1d3: {  	s0 =	sadd.s32 $0x1, s24  }
0x1d4: {  	p1 =	slt.u32 s24, $0x3E;
	s1 =	smov.u32 s24;
	s24 =	sadd.s32 $0x2, s24  }
.Ltmp7:
0x1d5: {  	v8 =	vadd.s32 s0, v2;
	(pc) =	sbr.rel @p1 .LBB2_17-.Ltmp7, $4  }
0x1d6: {  	s23 =	sadd.s32 $0x100, s23;
	v9 =	vadd.s32 s1, v2;
	v10 =	vand.u32 $0xFFFFFF80, v8  }
0x1d7: {  	v11 =	vand.u32 $0xFFFFFF80, v9;
	v8 =	vand.u32 $0x7F, v8;
	v10 =	vadd.s32 v3, v10;
	[tilespmem:s23+$0x0] =	vst v4;
	v4 =	vld.idx.msk [tilespmem:v6+s12+$0x0], $0xffff  }
0x1d8: {  	v9 =	vand.u32 $0x7F, v9;
	v11 =	vadd.s32 v3, v11;
	v6 =	vor.u32 v8, v10;
	[tilespmem:s23+$0xFFFFFF80] =	vst v5;
	v5 =	vld.idx.msk [tilespmem:v7+s12+$0x0], $0xffff  }
0x1d9: {  	v7 =	vor.u32 v9, v11  }
0x1da: {  	_ =	sdelay $0x3  }
0x1db: {  	v2 =	vld.idx.msk [tilespmem:v6+s12+$0x0], $0xffff  }
0x1dc: {  	v3 =	vld.idx.msk [tilespmem:v7+s12+$0x0], $0xffff  }
0x1dd: {  	s0 =	sadd.s32 $0x100, s23  }
0x1de: {  	[tilespmem:s0+$0x0] =	vst v4  }
0x1df: {  	[tilespmem:s0+$0xFFFFFF80] =	vst v5;
	s0 =	sadd.s32 $0x100, s0  }
0x1e0: {  	[tilespmem:s0+$0x0] =	vst v2  }
0x1e1: {  	[tilespmem:s0+$0xFFFFFF80] =	vst v3  }
0x1e2: {  	v2 =	vld [tilespmem:s21+$0x6470];
	_ =	sdelay $0x2  }
0x1e3: {  	s25 =	sor.u32 $0x70, s22  }
0x1e4: {  	s26 =	simm.s32 $0x1;
	v3 =	vmov s25  }
0x1e5: {  	s1 =	simm.s32 $0x0;
	v3 =	vshll.u32 v3, $0x7;
	v4 =	vadd.s32 s26, v2  }
0x1e6: {  	v3 =	vor.u32 v1, v3;
	v5 =	vadd.s32 s1, v2;
	v6 =	vand.u32 $0xFFFFFF80, v4  }
0x1e7: {  	v7 =	vand.u32 $0xFFFFFF80, v5;
	v4 =	vand.u32 $0x7F, v4;
	v6 =	vadd.s32 v3, v6  }
0x1e8: {  	v5 =	vand.u32 $0x7F, v5;
	v7 =	vadd.s32 v3, v7;
	v4 =	vor.u32 v4, v6  }
0x1e9: {  	s28 =	simm.s32 $0x3;
	v5 =	vor.u32 v5, v7  }
0x1ea: {  	s29 =	simm.s32 $0x2;
	v6 =	vadd.s32 s28, v2  }
0x1eb: {  	v7 =	vadd.s32 s29, v2;
	v8 =	vand.u32 $0xFFFFFF80, v6  }
0x1ec: {  	v9 =	vand.u32 $0xFFFFFF80, v7;
	v6 =	vand.u32 $0x7F, v6;
	v8 =	vadd.s32 v3, v8  }
0x1ed: {  	v6 =	vor.u32 v6, v8;
	v10 =	vld.idx.msk [tilespmem:v4+s12+$0x0], $0xffff;
	v4 =	vand.u32 $0x7F, v7;
	v7 =	vadd.s32 v3, v9  }
0x1ee: {  	v8 =	vld.idx.msk [tilespmem:v5+s12+$0x0], $0xffff;
	v5 =	vor.u32 v4, v7  }
0x1ef: {  	s30 =	simm.s32 $0x4;
	s31 =	simm.s32 $0x5  }
0x1f0: {  	v4 =	vadd.s32 s31, v2;
	v7 =	vadd.s32 s30, v2  }
0x1f1: {  	v62 =	vand.u32 $0xFFFFFF80, v4;
	v11 =	vand.u32 $0xFFFFFF80, v7;
	v12 =	vand.u32 $0x7F, v4  }
0x1f2: {  	v7 =	vand.u32 $0x7F, v7;
	v9 =	vadd.s32 v3, v62;
	v4 =	vld.idx.msk [tilespmem:v6+s12+$0x0], $0xffff;
	v63 =	vadd.s32 v3, v11;
	[tilespmem:s19+$0x0] =	vst v10  }
0x1f3: {  	s21 =	simm.s32 $0x6;
	v6 =	vor.u32 v12, v9;
	v7 =	vor.u32 v7, v63;
	[tilespmem:s19+$0xFFFFFF80] =	vst v8;
	v5 =	vld.idx.msk [tilespmem:v5+s12+$0x0], $0xffff  }
.LBB2_19:
0x1f4: {  	s0 =	sadd.s32 $0x1, s21  }
0x1f5: {  	p1 =	slt.u32 s21, $0x3E;
	s1 =	smov.u32 s21;
	s21 =	sadd.s32 $0x2, s21  }
.Ltmp8:
0x1f6: {  	v8 =	vadd.s32 s0, v2;
	(pc) =	sbr.rel @p1 .LBB2_19-.Ltmp8, $4  }
0x1f7: {  	s19 =	sadd.s32 $0x100, s19;
	v9 =	vadd.s32 s1, v2;
	v10 =	vand.u32 $0xFFFFFF80, v8  }
0x1f8: {  	v11 =	vand.u32 $0xFFFFFF80, v9;
	v8 =	vand.u32 $0x7F, v8;
	v10 =	vadd.s32 v3, v10;
	[tilespmem:s19+$0x0] =	vst v4;
	v4 =	vld.idx.msk [tilespmem:v6+s12+$0x0], $0xffff  }
0x1f9: {  	v9 =	vand.u32 $0x7F, v9;
	v11 =	vadd.s32 v3, v11;
	v6 =	vor.u32 v8, v10;
	[tilespmem:s19+$0xFFFFFF80] =	vst v5;
	v5 =	vld.idx.msk [tilespmem:v7+s12+$0x0], $0xffff  }
0x1fa: {  	v7 =	vor.u32 v9, v11  }
0x1fb: {  	_ =	sdelay $0x3  }
0x1fc: {  	v2 =	vld.idx.msk [tilespmem:v6+s12+$0x0], $0xffff  }
0x1fd: {  	v3 =	vld.idx.msk [tilespmem:v7+s12+$0x0], $0xffff;
	s1 =	sshll.u32 s18, $0x12;
	s18 =	sadd.s32 $0x1, s18  }
0x1fe: {  	s0 =	sadd.s32 $0x100, s19;
	p1 =	sne.s32 s18, $0xC8  }
.Ltmp9:
0x1ff: {  	[tilespmem:s0+$0x0] =	vst v4;
	(pc) =	sbr.rel @p1 .LBB2_4-.Ltmp9, $4  }
0x200: {  	s1 =	sor.u32 s4, s1;
	[tilespmem:s0+$0xFFFFFF80] =	vst v5;
	s0 =	sadd.s32 $0x100, s0  }
0x201: {  	s29 =	sshll.u32 s20, $0xD;
	s1 =	sshrl.u32 s1, $0x3;
	[tilespmem:s0+$0x0] =	vst v2  }
0x202: {  	p0 =	por !p0, !p0;
	s31 =	sor.u32 $0x18800, s29;
	s30 =	sadd.s32 s2, s1;
	[tilespmem:s0+$0xFFFFFF80] =	vst v3  }
0x203: {  	[hbm4b:s30+s8] =	stream.strided.scatter [tilespmem:s31], [sflag:$0x2], $0x2000, s9, s8, $0x38;
	[tilespmem:$0x1C800] =	vst v63  }
0x204: {  	s16 =	sadd.s32 $0x1, s16  }
0x205: {  	_ =	swait.ge [sflag:s15], $0x2000;
	p0 =	sne.s32 s16, s7  }
.Ltmp10:
0x206: {  	[sflag:s15] =	ssyncset.done $0x0;
	(pc) =	sbr.rel @p0 .LBB2_1-.Ltmp10, $4  }
0x207: {  	[sflag:s15] =	ssyncadd.s32 $0xFFFFE000  }
0x208: {  	_ =	swait.ge [sflag:s15], $0x2000  }
0x209: {  	[sflag:s15] =	ssyncset.done $0x0  }
0x20a: {  	[sflag:s15] =	ssyncadd.s32 $0xFFFFE000  }
0x20b: {  	_ =	sfence.sel $0x180000  }
0x20c: {  	[bflag:$0x0] =	sbarrier.arrive $0xFFFF  }
0x20d: {  	_ =	strace $0x90000047  }
0x20e: {  	s0 =	stileid.u32;
	[bflag:$0x2] =	sbarrier.arrive $0xFFFF  }
0x20f: {  	p0 =	sne.s32 s0, $0x0;
	s0 =	rddreg [dreg:$0x3]  }
0x210: {  	s0 =	sadd.s32 @!p0 $0x100000, s0  }
0x211: {  	[sflag:s0] =	ssyncadd.tile.s32 @!p0 $0x1;
	_ =	shalt  }
.Lfunc_end2:
_tile_overlayer_lowered:
.L_overlay_start_2:
0x212: {  	(tag) =	ssettag $0x2  }
0x213: {  	s0 =	rddreg [dreg:$0x0];
	s2 =	stileid.u32  }
0x214: {  	s1 =	rddreg [dreg:$0x1];
	p0 =	sne.s32 s2, $0x0  }
0x215: {  	s3 =	rddreg [dreg:$0x2];
	[bflag:$0x3] =	sbarrier.arrive $0xFFFF;
	s2 =	simm.s32 @!p0 $0x1C03  }
0x216: {  	[timem:s3], [sflag:s2] =	dma.local @!p0 [hbm:s0], s1  }
0x217: {  	s0 =	simm.s32 @!p0 $0x3  }
0x218: {  	_ =	swait.ge @!p0 [sflag:s0], s1  }
0x219: {  	s1 =	ssub.s32 @!p0 $0x0, s1;
	[sflag:s0] =	ssyncset.done @!p0 $0x0  }
0x21a: {  	[sflag:s0] =	ssyncadd.s32 @!p0 s1  }
0x21b: {  	[bflag:$0x3] =	sbarrier.arrive $0xFFFF  }
0x21c: {  	_ =	shalt  }

</sc_bundles>
